<compile_context>
chip_gen: v7x
topology: tpu7x:2x2x1
jax: 0.10.2.dev20260603
libtpu: 0.0.44.dev20260713+nightly
codegen_flags: <defaults>
</compile_context>

<pallas_src>
import functools

import jax
import jax.numpy as jnp
from jax import lax
from jax.experimental import pallas as pl
from jax.experimental.pallas import tpu as pltpu
from jax.experimental.pallas import tpu_sc as plsc

_V = 100000
_B = 1024
_NW = 32
_RPW = _B // _NW
_CC = 6144
_C0 = 49152
_CPG = _C0 // _CC
_NSITE = 4 * _CPG
_NPAIR = _NSITE // 2

_BLK = 2048
_TCB0 = _C0 // _BLK
_TGRID = 25


def _sc_body(x_hbm, out_hbm, b0, b1, st_v, sem0, sem1):
    wid = lax.axis_index("s") * 2 + lax.axis_index("c")
    row0 = wid * _RPW

    def start(k, buf, sem):
        kc = jnp.minimum(k, _NSITE - 1)
        g = kc // _CPG
        cc = kc % _CPG
        return pltpu.async_copy(
            x_hbm.at[pl.ds(row0 + g * 8, 8), pl.ds(cc * _CC, _CC)], buf, sem)

    def chunk_sum(buf, accs):
        def one_row(r, a):
            def inner(j, aa):
                base = j * 64
                return tuple(
                    aa[q] + buf[r, pl.ds(base + q * 16, 16)] for q in range(4))
            return lax.fori_loop(0, _CC // 64, inner, a)
        for r in range(8):
            accs = one_row(r, accs)
        return accs

    start(jnp.int32(0), b0, sem0)

    def body(i, accs):
        start(2 * i + 1, b1, sem1)
        pltpu.make_async_copy(x_hbm.at[pl.ds(row0, 8), pl.ds(0, _CC)],
                              b0, sem0).wait()
        accs = chunk_sum(b0, accs)
        start(2 * i + 2, b0, sem0)
        pltpu.make_async_copy(x_hbm.at[pl.ds(row0, 8), pl.ds(0, _CC)],
                              b1, sem1).wait()
        accs = chunk_sum(b1, accs)
        return accs

    accs = tuple(jnp.zeros((16,), jnp.float32) for _ in range(4))
    accs = lax.fori_loop(0, _NPAIR, body, accs)
    pltpu.make_async_copy(x_hbm.at[pl.ds(row0, 8), pl.ds(0, _CC)],
                          b0, sem0).wait()
    st_v[...] = accs[0] + accs[1] + accs[2] + accs[3]
    pltpu.sync_copy(st_v, out_hbm.at[wid])


@functools.cache
def _make_sc_sum():
    return pl.kernel(
        _sc_body,
        mesh=plsc.VectorSubcoreMesh(core_axis_name="c", subcore_axis_name="s"),
        out_type=jax.ShapeDtypeStruct((_NW, 16), jnp.float32),
        scratch_types=[
            pltpu.VMEM((8, _CC), jnp.float32),
            pltpu.VMEM((8, _CC), jnp.float32),
            pltpu.VMEM((16,), jnp.float32),
            pltpu.SemaphoreType.DMA,
            pltpu.SemaphoreType.DMA,
        ],
    )


def _tc_body(out_ref, loss_ref, sacc_ref):
    j = pl.program_id(0)
    d = out_ref[...]

    @pl.when(j == 0)
    def _():
        sacc_ref[...] = jnp.zeros((1, 1), jnp.float32)

    sacc_ref[...] += jnp.sum(d)

    @pl.when(j == _TGRID - 1)
    def _():
        loss_ref[...] = sacc_ref[...]


def _tc_sum(output):
    acc = pl.pallas_call(
        _tc_body,
        grid=(_TGRID,),
        in_specs=[pl.BlockSpec((_B, _BLK), lambda j: (0, j + _TCB0))],
        out_specs=pl.BlockSpec((1, 1), lambda j: (0, 0)),
        out_shape=jax.ShapeDtypeStruct((1, 1), jnp.float32),
        scratch_shapes=[pltpu.VMEM((1, 1), jnp.float32)],
    )(output)
    return acc[0, 0]


def kernel(output, target):
    tc = _tc_sum(output)
    parts = _make_sc_sum()(output)
    return tc + jnp.sum(parts)

# --- scband reference (transcript-rebuilt; emitter-appended) ---
"""Pipeline reference for scband-label-smoothing-loss-52269751992981 (READ-ONLY COPY).

The authoritative reference and input builder live on the scoring server;
editing this copy changes nothing except your own understanding.
"""

import jax, jax.numpy as jnp
import numpy as np

LABEL_SMOOTHING = 0.1
TGT_VOCAB_SIZE = 100000
PAD_IDX = 0
SMOOTHING_VALUE = LABEL_SMOOTHING / (TGT_VOCAB_SIZE - 2)
CONFIDENCE = 1.0 - LABEL_SMOOTHING
BATCH = 1024


def setup_inputs(seed: int = 0) -> dict:
    key = jax.random.key(seed)
    k1, k2 = jax.random.split(key)
    # output: model log-probs (batch x n_classes)
    output = jax.random.normal(k1, (BATCH, TGT_VOCAB_SIZE), dtype=jnp.float32)
    # target: class indices in [0, vocab)
    target = jax.random.randint(k2, (BATCH,), 0, TGT_VOCAB_SIZE, dtype=jnp.int32)
    return {"output": output, "target": target}


def reference(output, target):
    # build smoothed one-hot row, matching registered buffer
    one_hot = jnp.full((TGT_VOCAB_SIZE,), SMOOTHING_VALUE, dtype=jnp.float32)
    one_hot = one_hot.at[PAD_IDX].set(0.0)
    # extended_size = output.shape[1] - vocab if larger; here shapes match so it is 0
    B = target.shape[0]
    model_prob = jnp.tile(one_hot[None, :], (B, 1))
    # scatter confidence at target positions (scatter-overwrite)
    model_prob = model_prob.at[jnp.arange(B), target].set(CONFIDENCE)
    # mask out padding rows entirely
    pad_mask = (target == PAD_IDX)[:, None]
    model_prob = jnp.where(pad_mask, 0.0, model_prob)
    # F.kl_div(input=log_probs, target=probs, reduction='sum')
    # pointwise: p * (log(p) - input), with 0*log(0) treated as 0
    p = model_prob
    safe_log_p = jnp.where(p > 0, jnp.log(jnp.where(p > 0, p, 1.0)), 0.0)
    loss = jnp.sum(p * safe_log_p - p * output)
    return loss

if __name__ == "__main__":
    import jax
    _d = setup_inputs()
    print(jax.jit(kernel)(*tuple(_d.values())))

</pallas_src>

<mosaic_0001>
#map = affine_map<(d0, d1) -> (0, 0)>
module attributes {stable_mosaic.version = 14 : i64} {
  func.func @_sc_body(%arg0: i32, %arg1: i32, %arg2: memref<1024x100000xf32, #tpu.memory_space<hbm>>, %arg3: memref<32x16xf32, #tpu.memory_space<hbm>>, %arg4: memref<8x6144xf32, #tpu.memory_space<vmem>>, %arg5: memref<8x6144xf32, #tpu.memory_space<vmem>>, %arg6: memref<16xf32, #tpu.memory_space<vmem>>, %arg7: memref<!tpu.dma_semaphore, #tpu.memory_space<semaphore_mem>>, %arg8: memref<!tpu.dma_semaphore, #tpu.memory_space<semaphore_mem>>) attributes {dimension_semantics = [#tpu.dimension_semantics<core_parallel>, #tpu.dimension_semantics<subcore_parallel>], iteration_bounds = array<i64: 2, 16>, scalar_prefetch = 0 : i64, scratch_operands = 5 : i64, tpu.core_type = #tpu.core_type<sc_vector_subcore>, window_params = [{transform_indices = #map}, {transform_indices = #map}]} {
    %mul3A = arith.constant 2 : i32
    %mul3A_0 = arith.muli %arg1, %mul3A : i32
    %add3A = arith.addi %mul3A_0, %arg0 : i32
    %mul3A_1 = arith.constant 32 : i32
    %mul3A_2 = arith.muli %add3A, %mul3A_1 : i32
    %min3A = arith.constant 0 : i32
    %min3A_3 = arith.constant 31 : i32
    %min3A_4 = arith.minsi %min3A, %min3A_3 : i32
    %jit3A = arith.constant 8 : i32
    %div3A = arith.divsi %min3A_4, %jit3A : i32
    %sign3A = arith.constant 0 : i32
    %sign3A_5 = arith.cmpi sgt, %min3A_4, %sign3A : i32
    %sign3A_6 = arith.extui %sign3A_5 : i1 to i32
    %sign3A_7 = arith.constant 0 : i32
    %sign3A_8 = arith.cmpi slt, %min3A_4, %sign3A_7 : i32
    %sign3A_9 = arith.extui %sign3A_8 : i1 to i32
    %sign3A_10 = arith.subi %sign3A_6, %sign3A_9 : i32
    %sign3A_11 = arith.constant 0 : i32
    %sign3A_12 = arith.cmpi sgt, %jit3A, %sign3A_11 : i32
    %sign3A_13 = arith.extui %sign3A_12 : i1 to i32
    %sign3A_14 = arith.constant 0 : i32
    %sign3A_15 = arith.cmpi slt, %jit3A, %sign3A_14 : i32
    %sign3A_16 = arith.extui %sign3A_15 : i1 to i32
    %sign3A_17 = arith.subi %sign3A_13, %sign3A_16 : i32
    %ne3A = arith.cmpi ne, %sign3A_10, %sign3A_17 : i32
    %rem3A = arith.remsi %min3A_4, %jit3A : i32
    %ne3A_18 = arith.constant 0 : i32
    %ne3A_19 = arith.cmpi ne, %rem3A, %ne3A_18 : i32
    %and3A = arith.andi %ne3A, %ne3A_19 : i1
    %sub3A = arith.constant 1 : i32
    %sub3A_20 = arith.subi %div3A, %sub3A : i32
    %select_n3A = arith.select %and3A, %sub3A_20, %div3A : i32
    %jit3A_21 = arith.constant 8 : i32
    %eq3A = arith.constant 0 : i32
    %eq3A_22 = arith.cmpi eq, %jit3A_21, %eq3A : i32
    %jit3A_23 = arith.constant 1 : i32
    %select_n3A_24 = arith.select %eq3A_22, %jit3A_23, %jit3A_21 : i32
    %rem3A_25 = arith.remsi %min3A_4, %select_n3A_24 : i32
    %ne3A_26 = arith.constant 0 : i32
    %ne3A_27 = arith.cmpi ne, %rem3A_25, %ne3A_26 : i32
    %lt3A = arith.constant 0 : i32
    %lt3A_28 = arith.cmpi slt, %rem3A_25, %lt3A : i32
    %lt3A_29 = arith.constant 0 : i32
    %lt3A_30 = arith.cmpi slt, %select_n3A_24, %lt3A_29 : i32
    %ne3A_31 = arith.xori %lt3A_28, %lt3A_30 : i1
    %and3A_32 = arith.andi %ne3A_31, %ne3A_27 : i1
    %add3A_33 = arith.addi %rem3A_25, %select_n3A_24 : i32
    %select_n3A_34 = arith.select %and3A_32, %add3A_33, %rem3A_25 : i32
    %mul3A_35 = arith.constant 8 : i32
    %mul3A_36 = arith.muli %select_n3A, %mul3A_35 : i32
    %add3A_37 = arith.addi %mul3A_2, %mul3A_36 : i32
    %mul3A_38 = arith.constant 6144 : i32
    %mul3A_39 = arith.muli %select_n3A_34, %mul3A_38 : i32
    %dma_start3A = tpu.memref_slice %arg2[%add3A_37, %mul3A_39] : memref<1024x100000xf32, #tpu.memory_space<hbm>> -> memref<8x6144xf32, #tpu.memory_space<hbm>>
    %dma_start3A_40 = tpu.memref_slice %arg2[%add3A_37, %mul3A_39] : memref<1024x100000xf32, #tpu.memory_space<hbm>> -> memref<8x6144xf32, #tpu.memory_space<hbm>>
    tpu.enqueue_dma source(%dma_start3A_40 : memref<8x6144xf32, #tpu.memory_space<hbm>>) target(%arg4 : memref<8x6144xf32, #tpu.memory_space<vmem>>) target_semaphore(%arg7 : memref<!tpu.dma_semaphore, #tpu.memory_space<semaphore_mem>>)
    %broadcast_in_dim3A = arith.constant 0.000000e+00 : f32
    %broadcast_in_dim3A_41 = vector.broadcast %broadcast_in_dim3A : f32 to vector<16xf32>
    %broadcast_in_dim3A_42 = arith.constant 0.000000e+00 : f32
    %broadcast_in_dim3A_43 = vector.broadcast %broadcast_in_dim3A_42 : f32 to vector<16xf32>
    %broadcast_in_dim3A_44 = arith.constant 0.000000e+00 : f32
    %broadcast_in_dim3A_45 = vector.broadcast %broadcast_in_dim3A_44 : f32 to vector<16xf32>
    %broadcast_in_dim3A_46 = arith.constant 0.000000e+00 : f32
    %broadcast_in_dim3A_47 = vector.broadcast %broadcast_in_dim3A_46 : f32 to vector<16xf32>
    %scan3A = arith.constant 0 : i32
    %scan3A_48 = arith.constant 16 : i32
    %scan3A_49 = arith.addi %scan3A, %scan3A_48 : i32
    %scan3A_50 = arith.constant 1 : i32
    %scan3A_51:4 = scf.for %scan3A_62 = %scan3A to %scan3A_49 step %scan3A_50 iter_args(%scan3A_63 = %broadcast_in_dim3A_41, %scan3A_64 = %broadcast_in_dim3A_43, %scan3A_65 = %broadcast_in_dim3A_45, %scan3A_66 = %broadcast_in_dim3A_47) -> (vector<16xf32>, vector<16xf32>, vector<16xf32>, vector<16xf32>)  : i32 {
      %mul3A_67 = arith.constant 2 : i32
      %mul3A_68 = arith.muli %mul3A_67, %scan3A_62 : i32
      %add3A_69 = arith.constant 1 : i32
      %add3A_70 = arith.addi %mul3A_68, %add3A_69 : i32
      %min3A_71 = arith.constant 31 : i32
      %min3A_72 = arith.minsi %add3A_70, %min3A_71 : i32
      %jit3A_73 = arith.constant 8 : i32
      %div3A_74 = arith.divsi %min3A_72, %jit3A_73 : i32
      %sign3A_75 = arith.constant 0 : i32
      %sign3A_76 = arith.cmpi sgt, %min3A_72, %sign3A_75 : i32
      %sign3A_77 = arith.extui %sign3A_76 : i1 to i32
      %sign3A_78 = arith.constant 0 : i32
      %sign3A_79 = arith.cmpi slt, %min3A_72, %sign3A_78 : i32
      %sign3A_80 = arith.extui %sign3A_79 : i1 to i32
      %sign3A_81 = arith.subi %sign3A_77, %sign3A_80 : i32
      %sign3A_82 = arith.constant 0 : i32
      %sign3A_83 = arith.cmpi sgt, %jit3A_73, %sign3A_82 : i32
      %sign3A_84 = arith.extui %sign3A_83 : i1 to i32
      %sign3A_85 = arith.constant 0 : i32
      %sign3A_86 = arith.cmpi slt, %jit3A_73, %sign3A_85 : i32
      %sign3A_87 = arith.extui %sign3A_86 : i1 to i32
      %sign3A_88 = arith.subi %sign3A_84, %sign3A_87 : i32
      %ne3A_89 = arith.cmpi ne, %sign3A_81, %sign3A_88 : i32
      %rem3A_90 = arith.remsi %min3A_72, %jit3A_73 : i32
      %ne3A_91 = arith.constant 0 : i32
      %ne3A_92 = arith.cmpi ne, %rem3A_90, %ne3A_91 : i32
      %and3A_93 = arith.andi %ne3A_89, %ne3A_92 : i1
      %sub3A_94 = arith.constant 1 : i32
      %sub3A_95 = arith.subi %div3A_74, %sub3A_94 : i32
      %select_n3A_96 = arith.select %and3A_93, %sub3A_95, %div3A_74 : i32
      %jit3A_97 = arith.constant 8 : i32
      %eq3A_98 = arith.constant 0 : i32
      %eq3A_99 = arith.cmpi eq, %jit3A_97, %eq3A_98 : i32
      %jit3A_100 = arith.constant 1 : i32
      %select_n3A_101 = arith.select %eq3A_99, %jit3A_100, %jit3A_97 : i32
      %rem3A_102 = arith.remsi %min3A_72, %select_n3A_101 : i32
      %ne3A_103 = arith.constant 0 : i32
      %ne3A_104 = arith.cmpi ne, %rem3A_102, %ne3A_103 : i32
      %lt3A_105 = arith.constant 0 : i32
      %lt3A_106 = arith.cmpi slt, %rem3A_102, %lt3A_105 : i32
      %lt3A_107 = arith.constant 0 : i32
      %lt3A_108 = arith.cmpi slt, %select_n3A_101, %lt3A_107 : i32
      %ne3A_109 = arith.xori %lt3A_106, %lt3A_108 : i1
      %and3A_110 = arith.andi %ne3A_109, %ne3A_104 : i1
      %add3A_111 = arith.addi %rem3A_102, %select_n3A_101 : i32
      %select_n3A_112 = arith.select %and3A_110, %add3A_111, %rem3A_102 : i32
      %mul3A_113 = arith.constant 8 : i32
      %mul3A_114 = arith.muli %select_n3A_96, %mul3A_113 : i32
      %add3A_115 = arith.addi %mul3A_2, %mul3A_114 : i32
      %mul3A_116 = arith.constant 6144 : i32
      %mul3A_117 = arith.muli %select_n3A_112, %mul3A_116 : i32
      %dma_start3A_118 = tpu.memref_slice %arg2[%add3A_115, %mul3A_117] : memref<1024x100000xf32, #tpu.memory_space<hbm>> -> memref<8x6144xf32, #tpu.memory_space<hbm>>
      %dma_start3A_119 = tpu.memref_slice %arg2[%add3A_115, %mul3A_117] : memref<1024x100000xf32, #tpu.memory_space<hbm>> -> memref<8x6144xf32, #tpu.memory_space<hbm>>
      tpu.enqueue_dma source(%dma_start3A_119 : memref<8x6144xf32, #tpu.memory_space<hbm>>) target(%arg5 : memref<8x6144xf32, #tpu.memory_space<vmem>>) target_semaphore(%arg8 : memref<!tpu.dma_semaphore, #tpu.memory_space<semaphore_mem>>)
      %dma_wait3A_120 = arith.constant 0 : i32
      %dma_wait3A_121 = tpu.memref_slice %arg2[%mul3A_2, %dma_wait3A_120] : memref<1024x100000xf32, #tpu.memory_space<hbm>> -> memref<8x6144xf32, #tpu.memory_space<hbm>>
      %dma_wait3A_122 = arith.constant 0 : i32
      %dma_wait3A_123 = tpu.memref_slice %arg2[%mul3A_2, %dma_wait3A_122] : memref<1024x100000xf32, #tpu.memory_space<hbm>> -> memref<8x6144xf32, #tpu.memory_space<hbm>>
      tpu.wait_dma2 semaphore(%arg7 : memref<!tpu.dma_semaphore, #tpu.memory_space<semaphore_mem>>) src(%dma_wait3A_123 : memref<8x6144xf32, #tpu.memory_space<hbm>>) dst(%arg4 : memref<8x6144xf32, #tpu.memory_space<vmem>>)
      %scan3A_124 = arith.constant 0 : i32
      %scan3A_125 = arith.constant 96 : i32
      %scan3A_126 = arith.addi %scan3A_124, %scan3A_125 : i32
      %scan3A_127 = arith.constant 1 : i32
      %scan3A_128:4 = scf.for %scan3A_277 = %scan3A_124 to %scan3A_126 step %scan3A_127 iter_args(%scan3A_278 = %scan3A_63, %scan3A_279 = %scan3A_64, %scan3A_280 = %scan3A_65, %scan3A_281 = %scan3A_66) -> (vector<16xf32>, vector<16xf32>, vector<16xf32>, vector<16xf32>)  : i32 {
        %mul3A_282 = arith.constant 64 : i32
        %mul3A_283 = arith.muli %scan3A_277, %mul3A_282 : i32
        %add3A_284 = arith.constant 0 : i32
        %add3A_285 = arith.addi %mul3A_283, %add3A_284 : i32
        %get3A = arith.constant 0 : i32
        %get3A_286 = arith.index_cast %get3A : i32 to index
        %get3A_287 = arith.index_cast %add3A_285 : i32 to index
        %get3A_288 = tpu.vector_load %arg4[%get3A_286, %get3A_287] {strides = array<i32>} : memref<8x6144xf32, #tpu.memory_space<vmem>>, vector<1x16xf32>,
        %get3A_289 = vector.shape_cast %get3A_288 : vector<1x16xf32> to vector<16xf32>
        %add3A_290 = arith.addf %scan3A_278, %get3A_289 : vector<16xf32>
        %add3A_291 = arith.constant 16 : i32
        %add3A_292 = arith.addi %mul3A_283, %add3A_291 : i32
        %get3A_293 = arith.constant 0 : i32
        %get3A_294 = arith.index_cast %get3A_293 : i32 to index
        %get3A_295 = arith.index_cast %add3A_292 : i32 to index
        %get3A_296 = tpu.vector_load %arg4[%get3A_294, %get3A_295] {strides = array<i32>} : memref<8x6144xf32, #tpu.memory_space<vmem>>, vector<1x16xf32>,
        %get3A_297 = vector.shape_cast %get3A_296 : vector<1x16xf32> to vector<16xf32>
        %add3A_298 = arith.addf %scan3A_279, %get3A_297 : vector<16xf32>
        %add3A_299 = arith.constant 32 : i32
        %add3A_300 = arith.addi %mul3A_283, %add3A_299 : i32
        %get3A_301 = arith.constant 0 : i32
        %get3A_302 = arith.index_cast %get3A_301 : i32 to index
        %get3A_303 = arith.index_cast %add3A_300 : i32 to index
        %get3A_304 = tpu.vector_load %arg4[%get3A_302, %get3A_303] {strides = array<i32>} : memref<8x6144xf32, #tpu.memory_space<vmem>>, vector<1x16xf32>,
        %get3A_305 = vector.shape_cast %get3A_304 : vector<1x16xf32> to vector<16xf32>
        %add3A_306 = arith.addf %scan3A_280, %get3A_305 : vector<16xf32>
        %add3A_307 = arith.constant 48 : i32
        %add3A_308 = arith.addi %mul3A_283, %add3A_307 : i32
        %get3A_309 = arith.constant 0 : i32
        %get3A_310 = arith.index_cast %get3A_309 : i32 to index
        %get3A_311 = arith.index_cast %add3A_308 : i32 to index
        %get3A_312 = tpu.vector_load %arg4[%get3A_310, %get3A_311] {strides = array<i32>} : memref<8x6144xf32, #tpu.memory_space<vmem>>, vector<1x16xf32>,
        %get3A_313 = vector.shape_cast %get3A_312 : vector<1x16xf32> to vector<16xf32>
        %add3A_314 = arith.addf %scan3A_281, %get3A_313 : vector<16xf32>
        scf.yield %add3A_290, %add3A_298, %add3A_306, %add3A_314 : vector<16xf32>, vector<16xf32>, vector<16xf32>, vector<16xf32>
      }
      %scan3A_129 = arith.constant 96 : i32
      %scan3A_130 = arith.constant 0 : i32
      %scan3A_131 = arith.constant 96 : i32
      %scan3A_132 = arith.addi %scan3A_130, %scan3A_131 : i32
      %scan3A_133 = arith.constant 1 : i32
      %scan3A_134:4 = scf.for %scan3A_277 = %scan3A_130 to %scan3A_132 step %scan3A_133 iter_args(%scan3A_278 = %scan3A_128#0, %scan3A_279 = %scan3A_128#1, %scan3A_280 = %scan3A_128#2, %scan3A_281 = %scan3A_128#3) -> (vector<16xf32>, vector<16xf32>, vector<16xf32>, vector<16xf32>)  : i32 {
        %mul3A_282 = arith.constant 64 : i32
        %mul3A_283 = arith.muli %scan3A_277, %mul3A_282 : i32
        %add3A_284 = arith.constant 0 : i32
        %add3A_285 = arith.addi %mul3A_283, %add3A_284 : i32
        %get3A = arith.constant 1 : i32
        %get3A_286 = arith.index_cast %get3A : i32 to index
        %get3A_287 = arith.index_cast %add3A_285 : i32 to index
        %get3A_288 = tpu.vector_load %arg4[%get3A_286, %get3A_287] {strides = array<i32>} : memref<8x6144xf32, #tpu.memory_space<vmem>>, vector<1x16xf32>,
        %get3A_289 = vector.shape_cast %get3A_288 : vector<1x16xf32> to vector<16xf32>
        %add3A_290 = arith.addf %scan3A_278, %get3A_289 : vector<16xf32>
        %add3A_291 = arith.constant 16 : i32
        %add3A_292 = arith.addi %mul3A_283, %add3A_291 : i32
        %get3A_293 = arith.constant 1 : i32
        %get3A_294 = arith.index_cast %get3A_293 : i32 to index
        %get3A_295 = arith.index_cast %add3A_292 : i32 to index
        %get3A_296 = tpu.vector_load %arg4[%get3A_294, %get3A_295] {strides = array<i32>} : memref<8x6144xf32, #tpu.memory_space<vmem>>, vector<1x16xf32>,
        %get3A_297 = vector.shape_cast %get3A_296 : vector<1x16xf32> to vector<16xf32>
        %add3A_298 = arith.addf %scan3A_279, %get3A_297 : vector<16xf32>
        %add3A_299 = arith.constant 32 : i32
        %add3A_300 = arith.addi %mul3A_283, %add3A_299 : i32
        %get3A_301 = arith.constant 1 : i32
        %get3A_302 = arith.index_cast %get3A_301 : i32 to index
        %get3A_303 = arith.index_cast %add3A_300 : i32 to index
        %get3A_304 = tpu.vector_load %arg4[%get3A_302, %get3A_303] {strides = array<i32>} : memref<8x6144xf32, #tpu.memory_space<vmem>>, vector<1x16xf32>,
        %get3A_305 = vector.shape_cast %get3A_304 : vector<1x16xf32> to vector<16xf32>
        %add3A_306 = arith.addf %scan3A_280, %get3A_305 : vector<16xf32>
        %add3A_307 = arith.constant 48 : i32
        %add3A_308 = arith.addi %mul3A_283, %add3A_307 : i32
        %get3A_309 = arith.constant 1 : i32
        %get3A_310 = arith.index_cast %get3A_309 : i32 to index
        %get3A_311 = arith.index_cast %add3A_308 : i32 to index
        %get3A_312 = tpu.vector_load %arg4[%get3A_310, %get3A_311] {strides = array<i32>} : memref<8x6144xf32, #tpu.memory_space<vmem>>, vector<1x16xf32>,
        %get3A_313 = vector.shape_cast %get3A_312 : vector<1x16xf32> to vector<16xf32>
        %add3A_314 = arith.addf %scan3A_281, %get3A_313 : vector<16xf32>
        scf.yield %add3A_290, %add3A_298, %add3A_306, %add3A_314 : vector<16xf32>, vector<16xf32>, vector<16xf32>, vector<16xf32>
      }
      %scan3A_135 = arith.constant 96 : i32
      %scan3A_136 = arith.constant 0 : i32
      %scan3A_137 = arith.constant 96 : i32
      %scan3A_138 = arith.addi %scan3A_136, %scan3A_137 : i32
      %scan3A_139 = arith.constant 1 : i32
      %scan3A_140:4 = scf.for %scan3A_277 = %scan3A_136 to %scan3A_138 step %scan3A_139 iter_args(%scan3A_278 = %scan3A_134#0, %scan3A_279 = %scan3A_134#1, %scan3A_280 = %scan3A_134#2, %scan3A_281 = %scan3A_134#3) -> (vector<16xf32>, vector<16xf32>, vector<16xf32>, vector<16xf32>)  : i32 {
        %mul3A_282 = arith.constant 64 : i32
        %mul3A_283 = arith.muli %scan3A_277, %mul3A_282 : i32
        %add3A_284 = arith.constant 0 : i32
        %add3A_285 = arith.addi %mul3A_283, %add3A_284 : i32
        %get3A = arith.constant 2 : i32
        %get3A_286 = arith.index_cast %get3A : i32 to index
        %get3A_287 = arith.index_cast %add3A_285 : i32 to index
        %get3A_288 = tpu.vector_load %arg4[%get3A_286, %get3A_287] {strides = array<i32>} : memref<8x6144xf32, #tpu.memory_space<vmem>>, vector<1x16xf32>,
        %get3A_289 = vector.shape_cast %get3A_288 : vector<1x16xf32> to vector<16xf32>
        %add3A_290 = arith.addf %scan3A_278, %get3A_289 : vector<16xf32>
        %add3A_291 = arith.constant 16 : i32
        %add3A_292 = arith.addi %mul3A_283, %add3A_291 : i32
        %get3A_293 = arith.constant 2 : i32
        %get3A_294 = arith.index_cast %get3A_293 : i32 to index
        %get3A_295 = arith.index_cast %add3A_292 : i32 to index
        %get3A_296 = tpu.vector_load %arg4[%get3A_294, %get3A_295] {strides = array<i32>} : memref<8x6144xf32, #tpu.memory_space<vmem>>, vector<1x16xf32>,
        %get3A_297 = vector.shape_cast %get3A_296 : vector<1x16xf32> to vector<16xf32>
        %add3A_298 = arith.addf %scan3A_279, %get3A_297 : vector<16xf32>
        %add3A_299 = arith.constant 32 : i32
        %add3A_300 = arith.addi %mul3A_283, %add3A_299 : i32
        %get3A_301 = arith.constant 2 : i32
        %get3A_302 = arith.index_cast %get3A_301 : i32 to index
        %get3A_303 = arith.index_cast %add3A_300 : i32 to index
        %get3A_304 = tpu.vector_load %arg4[%get3A_302, %get3A_303] {strides = array<i32>} : memref<8x6144xf32, #tpu.memory_space<vmem>>, vector<1x16xf32>,
        %get3A_305 = vector.shape_cast %get3A_304 : vector<1x16xf32> to vector<16xf32>
        %add3A_306 = arith.addf %scan3A_280, %get3A_305 : vector<16xf32>
        %add3A_307 = arith.constant 48 : i32
        %add3A_308 = arith.addi %mul3A_283, %add3A_307 : i32
        %get3A_309 = arith.constant 2 : i32
        %get3A_310 = arith.index_cast %get3A_309 : i32 to index
        %get3A_311 = arith.index_cast %add3A_308 : i32 to index
        %get3A_312 = tpu.vector_load %arg4[%get3A_310, %get3A_311] {strides = array<i32>} : memref<8x6144xf32, #tpu.memory_space<vmem>>, vector<1x16xf32>,
        %get3A_313 = vector.shape_cast %get3A_312 : vector<1x16xf32> to vector<16xf32>
        %add3A_314 = arith.addf %scan3A_281, %get3A_313 : vector<16xf32>
        scf.yield %add3A_290, %add3A_298, %add3A_306, %add3A_314 : vector<16xf32>, vector<16xf32>, vector<16xf32>, vector<16xf32>
      }
      %scan3A_141 = arith.constant 96 : i32
      %scan3A_142 = arith.constant 0 : i32
      %scan3A_143 = arith.constant 96 : i32
      %scan3A_144 = arith.addi %scan3A_142, %scan3A_143 : i32
      %scan3A_145 = arith.constant 1 : i32
      %scan3A_146:4 = scf.for %scan3A_277 = %scan3A_142 to %scan3A_144 step %scan3A_145 iter_args(%scan3A_278 = %scan3A_140#0, %scan3A_279 = %scan3A_140#1, %scan3A_280 = %scan3A_140#2, %scan3A_281 = %scan3A_140#3) -> (vector<16xf32>, vector<16xf32>, vector<16xf32>, vector<16xf32>)  : i32 {
        %mul3A_282 = arith.constant 64 : i32
        %mul3A_283 = arith.muli %scan3A_277, %mul3A_282 : i32
        %add3A_284 = arith.constant 0 : i32
        %add3A_285 = arith.addi %mul3A_283, %add3A_284 : i32
        %get3A = arith.constant 3 : i32
        %get3A_286 = arith.index_cast %get3A : i32 to index
        %get3A_287 = arith.index_cast %add3A_285 : i32 to index
        %get3A_288 = tpu.vector_load %arg4[%get3A_286, %get3A_287] {strides = array<i32>} : memref<8x6144xf32, #tpu.memory_space<vmem>>, vector<1x16xf32>,
        %get3A_289 = vector.shape_cast %get3A_288 : vector<1x16xf32> to vector<16xf32>
        %add3A_290 = arith.addf %scan3A_278, %get3A_289 : vector<16xf32>
        %add3A_291 = arith.constant 16 : i32
        %add3A_292 = arith.addi %mul3A_283, %add3A_291 : i32
        %get3A_293 = arith.constant 3 : i32
        %get3A_294 = arith.index_cast %get3A_293 : i32 to index
        %get3A_295 = arith.index_cast %add3A_292 : i32 to index
        %get3A_296 = tpu.vector_load %arg4[%get3A_294, %get3A_295] {strides = array<i32>} : memref<8x6144xf32, #tpu.memory_space<vmem>>, vector<1x16xf32>,
        %get3A_297 = vector.shape_cast %get3A_296 : vector<1x16xf32> to vector<16xf32>
        %add3A_298 = arith.addf %scan3A_279, %get3A_297 : vector<16xf32>
        %add3A_299 = arith.constant 32 : i32
        %add3A_300 = arith.addi %mul3A_283, %add3A_299 : i32
        %get3A_301 = arith.constant 3 : i32
        %get3A_302 = arith.index_cast %get3A_301 : i32 to index
        %get3A_303 = arith.index_cast %add3A_300 : i32 to index
        %get3A_304 = tpu.vector_load %arg4[%get3A_302, %get3A_303] {strides = array<i32>} : memref<8x6144xf32, #tpu.memory_space<vmem>>, vector<1x16xf32>,
        %get3A_305 = vector.shape_cast %get3A_304 : vector<1x16xf32> to vector<16xf32>
        %add3A_306 = arith.addf %scan3A_280, %get3A_305 : vector<16xf32>
        %add3A_307 = arith.constant 48 : i32
        %add3A_308 = arith.addi %mul3A_283, %add3A_307 : i32
        %get3A_309 = arith.constant 3 : i32
        %get3A_310 = arith.index_cast %get3A_309 : i32 to index
        %get3A_311 = arith.index_cast %add3A_308 : i32 to index
        %get3A_312 = tpu.vector_load %arg4[%get3A_310, %get3A_311] {strides = array<i32>} : memref<8x6144xf32, #tpu.memory_space<vmem>>, vector<1x16xf32>,
        %get3A_313 = vector.shape_cast %get3A_312 : vector<1x16xf32> to vector<16xf32>
        %add3A_314 = arith.addf %scan3A_281, %get3A_313 : vector<16xf32>
        scf.yield %add3A_290, %add3A_298, %add3A_306, %add3A_314 : vector<16xf32>, vector<16xf32>, vector<16xf32>, vector<16xf32>
      }
      %scan3A_147 = arith.constant 96 : i32
      %scan3A_148 = arith.constant 0 : i32
      %scan3A_149 = arith.constant 96 : i32
      %scan3A_150 = arith.addi %scan3A_148, %scan3A_149 : i32
      %scan3A_151 = arith.constant 1 : i32
      %scan3A_152:4 = scf.for %scan3A_277 = %scan3A_148 to %scan3A_150 step %scan3A_151 iter_args(%scan3A_278 = %scan3A_146#0, %scan3A_279 = %scan3A_146#1, %scan3A_280 = %scan3A_146#2, %scan3A_281 = %scan3A_146#3) -> (vector<16xf32>, vector<16xf32>, vector<16xf32>, vector<16xf32>)  : i32 {
        %mul3A_282 = arith.constant 64 : i32
        %mul3A_283 = arith.muli %scan3A_277, %mul3A_282 : i32
        %add3A_284 = arith.constant 0 : i32
        %add3A_285 = arith.addi %mul3A_283, %add3A_284 : i32
        %get3A = arith.constant 4 : i32
        %get3A_286 = arith.index_cast %get3A : i32 to index
        %get3A_287 = arith.index_cast %add3A_285 : i32 to index
        %get3A_288 = tpu.vector_load %arg4[%get3A_286, %get3A_287] {strides = array<i32>} : memref<8x6144xf32, #tpu.memory_space<vmem>>, vector<1x16xf32>,
        %get3A_289 = vector.shape_cast %get3A_288 : vector<1x16xf32> to vector<16xf32>
        %add3A_290 = arith.addf %scan3A_278, %get3A_289 : vector<16xf32>
        %add3A_291 = arith.constant 16 : i32
        %add3A_292 = arith.addi %mul3A_283, %add3A_291 : i32
        %get3A_293 = arith.constant 4 : i32
        %get3A_294 = arith.index_cast %get3A_293 : i32 to index
        %get3A_295 = arith.index_cast %add3A_292 : i32 to index
        %get3A_296 = tpu.vector_load %arg4[%get3A_294, %get3A_295] {strides = array<i32>} : memref<8x6144xf32, #tpu.memory_space<vmem>>, vector<1x16xf32>,
        %get3A_297 = vector.shape_cast %get3A_296 : vector<1x16xf32> to vector<16xf32>
        %add3A_298 = arith.addf %scan3A_279, %get3A_297 : vector<16xf32>
        %add3A_299 = arith.constant 32 : i32
        %add3A_300 = arith.addi %mul3A_283, %add3A_299 : i32
        %get3A_301 = arith.constant 4 : i32
        %get3A_302 = arith.index_cast %get3A_301 : i32 to index
        %get3A_303 = arith.index_cast %add3A_300 : i32 to index
        %get3A_304 = tpu.vector_load %arg4[%get3A_302, %get3A_303] {strides = array<i32>} : memref<8x6144xf32, #tpu.memory_space<vmem>>, vector<1x16xf32>,
        %get3A_305 = vector.shape_cast %get3A_304 : vector<1x16xf32> to vector<16xf32>
        %add3A_306 = arith.addf %scan3A_280, %get3A_305 : vector<16xf32>
        %add3A_307 = arith.constant 48 : i32
        %add3A_308 = arith.addi %mul3A_283, %add3A_307 : i32
        %get3A_309 = arith.constant 4 : i32
        %get3A_310 = arith.index_cast %get3A_309 : i32 to index
        %get3A_311 = arith.index_cast %add3A_308 : i32 to index
        %get3A_312 = tpu.vector_load %arg4[%get3A_310, %get3A_311] {strides = array<i32>} : memref<8x6144xf32, #tpu.memory_space<vmem>>, vector<1x16xf32>,
        %get3A_313 = vector.shape_cast %get3A_312 : vector<1x16xf32> to vector<16xf32>
        %add3A_314 = arith.addf %scan3A_281, %get3A_313 : vector<16xf32>
        scf.yield %add3A_290, %add3A_298, %add3A_306, %add3A_314 : vector<16xf32>, vector<16xf32>, vector<16xf32>, vector<16xf32>
      }
      %scan3A_153 = arith.constant 96 : i32
      %scan3A_154 = arith.constant 0 : i32
      %scan3A_155 = arith.constant 96 : i32
      %scan3A_156 = arith.addi %scan3A_154, %scan3A_155 : i32
      %scan3A_157 = arith.constant 1 : i32
      %scan3A_158:4 = scf.for %scan3A_277 = %scan3A_154 to %scan3A_156 step %scan3A_157 iter_args(%scan3A_278 = %scan3A_152#0, %scan3A_279 = %scan3A_152#1, %scan3A_280 = %scan3A_152#2, %scan3A_281 = %scan3A_152#3) -> (vector<16xf32>, vector<16xf32>, vector<16xf32>, vector<16xf32>)  : i32 {
        %mul3A_282 = arith.constant 64 : i32
        %mul3A_283 = arith.muli %scan3A_277, %mul3A_282 : i32
        %add3A_284 = arith.constant 0 : i32
        %add3A_285 = arith.addi %mul3A_283, %add3A_284 : i32
        %get3A = arith.constant 5 : i32
        %get3A_286 = arith.index_cast %get3A : i32 to index
        %get3A_287 = arith.index_cast %add3A_285 : i32 to index
        %get3A_288 = tpu.vector_load %arg4[%get3A_286, %get3A_287] {strides = array<i32>} : memref<8x6144xf32, #tpu.memory_space<vmem>>, vector<1x16xf32>,
        %get3A_289 = vector.shape_cast %get3A_288 : vector<1x16xf32> to vector<16xf32>
        %add3A_290 = arith.addf %scan3A_278, %get3A_289 : vector<16xf32>
        %add3A_291 = arith.constant 16 : i32
        %add3A_292 = arith.addi %mul3A_283, %add3A_291 : i32
        %get3A_293 = arith.constant 5 : i32
        %get3A_294 = arith.index_cast %get3A_293 : i32 to index
        %get3A_295 = arith.index_cast %add3A_292 : i32 to index
        %get3A_296 = tpu.vector_load %arg4[%get3A_294, %get3A_295] {strides = array<i32>} : memref<8x6144xf32, #tpu.memory_space<vmem>>, vector<1x16xf32>,
        %get3A_297 = vector.shape_cast %get3A_296 : vector<1x16xf32> to vector<16xf32>
        %add3A_298 = arith.addf %scan3A_279, %get3A_297 : vector<16xf32>
        %add3A_299 = arith.constant 32 : i32
        %add3A_300 = arith.addi %mul3A_283, %add3A_299 : i32
        %get3A_301 = arith.constant 5 : i32
        %get3A_302 = arith.index_cast %get3A_301 : i32 to index
        %get3A_303 = arith.index_cast %add3A_300 : i32 to index
        %get3A_304 = tpu.vector_load %arg4[%get3A_302, %get3A_303] {strides = array<i32>} : memref<8x6144xf32, #tpu.memory_space<vmem>>, vector<1x16xf32>,
        %get3A_305 = vector.shape_cast %get3A_304 : vector<1x16xf32> to vector<16xf32>
        %add3A_306 = arith.addf %scan3A_280, %get3A_305 : vector<16xf32>
        %add3A_307 = arith.constant 48 : i32
        %add3A_308 = arith.addi %mul3A_283, %add3A_307 : i32
        %get3A_309 = arith.constant 5 : i32
        %get3A_310 = arith.index_cast %get3A_309 : i32 to index
        %get3A_311 = arith.index_cast %add3A_308 : i32 to index
        %get3A_312 = tpu.vector_load %arg4[%get3A_310, %get3A_311] {strides = array<i32>} : memref<8x6144xf32, #tpu.memory_space<vmem>>, vector<1x16xf32>,
        %get3A_313 = vector.shape_cast %get3A_312 : vector<1x16xf32> to vector<16xf32>
        %add3A_314 = arith.addf %scan3A_281, %get3A_313 : vector<16xf32>
        scf.yield %add3A_290, %add3A_298, %add3A_306, %add3A_314 : vector<16xf32>, vector<16xf32>, vector<16xf32>, vector<16xf32>
      }
      %scan3A_159 = arith.constant 96 : i32
      %scan3A_160 = arith.constant 0 : i32
      %scan3A_161 = arith.constant 96 : i32
      %scan3A_162 = arith.addi %scan3A_160, %scan3A_161 : i32
      %scan3A_163 = arith.constant 1 : i32
      %scan3A_164:4 = scf.for %scan3A_277 = %scan3A_160 to %scan3A_162 step %scan3A_163 iter_args(%scan3A_278 = %scan3A_158#0, %scan3A_279 = %scan3A_158#1, %scan3A_280 = %scan3A_158#2, %scan3A_281 = %scan3A_158#3) -> (vector<16xf32>, vector<16xf32>, vector<16xf32>, vector<16xf32>)  : i32 {
        %mul3A_282 = arith.constant 64 : i32
        %mul3A_283 = arith.muli %scan3A_277, %mul3A_282 : i32
        %add3A_284 = arith.constant 0 : i32
        %add3A_285 = arith.addi %mul3A_283, %add3A_284 : i32
        %get3A = arith.constant 6 : i32
        %get3A_286 = arith.index_cast %get3A : i32 to index
        %get3A_287 = arith.index_cast %add3A_285 : i32 to index
        %get3A_288 = tpu.vector_load %arg4[%get3A_286, %get3A_287] {strides = array<i32>} : memref<8x6144xf32, #tpu.memory_space<vmem>>, vector<1x16xf32>,
        %get3A_289 = vector.shape_cast %get3A_288 : vector<1x16xf32> to vector<16xf32>
        %add3A_290 = arith.addf %scan3A_278, %get3A_289 : vector<16xf32>
        %add3A_291 = arith.constant 16 : i32
        %add3A_292 = arith.addi %mul3A_283, %add3A_291 : i32
        %get3A_293 = arith.constant 6 : i32
        %get3A_294 = arith.index_cast %get3A_293 : i32 to index
        %get3A_295 = arith.index_cast %add3A_292 : i32 to index
        %get3A_296 = tpu.vector_load %arg4[%get3A_294, %get3A_295] {strides = array<i32>} : memref<8x6144xf32, #tpu.memory_space<vmem>>, vector<1x16xf32>,
        %get3A_297 = vector.shape_cast %get3A_296 : vector<1x16xf32> to vector<16xf32>
        %add3A_298 = arith.addf %scan3A_279, %get3A_297 : vector<16xf32>
        %add3A_299 = arith.constant 32 : i32
        %add3A_300 = arith.addi %mul3A_283, %add3A_299 : i32
        %get3A_301 = arith.constant 6 : i32
        %get3A_302 = arith.index_cast %get3A_301 : i32 to index
        %get3A_303 = arith.index_cast %add3A_300 : i32 to index
        %get3A_304 = tpu.vector_load %arg4[%get3A_302, %get3A_303] {strides = array<i32>} : memref<8x6144xf32, #tpu.memory_space<vmem>>, vector<1x16xf32>,
        %get3A_305 = vector.shape_cast %get3A_304 : vector<1x16xf32> to vector<16xf32>
        %add3A_306 = arith.addf %scan3A_280, %get3A_305 : vector<16xf32>
        %add3A_307 = arith.constant 48 : i32
        %add3A_308 = arith.addi %mul3A_283, %add3A_307 : i32
        %get3A_309 = arith.constant 6 : i32
        %get3A_310 = arith.index_cast %get3A_309 : i32 to index
        %get3A_311 = arith.index_cast %add3A_308 : i32 to index
        %get3A_312 = tpu.vector_load %arg4[%get3A_310, %get3A_311] {strides = array<i32>} : memref<8x6144xf32, #tpu.memory_space<vmem>>, vector<1x16xf32>,
        %get3A_313 = vector.shape_cast %get3A_312 : vector<1x16xf32> to vector<16xf32>
        %add3A_314 = arith.addf %scan3A_281, %get3A_313 : vector<16xf32>
        scf.yield %add3A_290, %add3A_298, %add3A_306, %add3A_314 : vector<16xf32>, vector<16xf32>, vector<16xf32>, vector<16xf32>
      }
      %scan3A_165 = arith.constant 96 : i32
      %scan3A_166 = arith.constant 0 : i32
      %scan3A_167 = arith.constant 96 : i32
      %scan3A_168 = arith.addi %scan3A_166, %scan3A_167 : i32
      %scan3A_169 = arith.constant 1 : i32
      %scan3A_170:4 = scf.for %scan3A_277 = %scan3A_166 to %scan3A_168 step %scan3A_169 iter_args(%scan3A_278 = %scan3A_164#0, %scan3A_279 = %scan3A_164#1, %scan3A_280 = %scan3A_164#2, %scan3A_281 = %scan3A_164#3) -> (vector<16xf32>, vector<16xf32>, vector<16xf32>, vector<16xf32>)  : i32 {
        %mul3A_282 = arith.constant 64 : i32
        %mul3A_283 = arith.muli %scan3A_277, %mul3A_282 : i32
        %add3A_284 = arith.constant 0 : i32
        %add3A_285 = arith.addi %mul3A_283, %add3A_284 : i32
        %get3A = arith.constant 7 : i32
        %get3A_286 = arith.index_cast %get3A : i32 to index
        %get3A_287 = arith.index_cast %add3A_285 : i32 to index
        %get3A_288 = tpu.vector_load %arg4[%get3A_286, %get3A_287] {strides = array<i32>} : memref<8x6144xf32, #tpu.memory_space<vmem>>, vector<1x16xf32>,
        %get3A_289 = vector.shape_cast %get3A_288 : vector<1x16xf32> to vector<16xf32>
        %add3A_290 = arith.addf %scan3A_278, %get3A_289 : vector<16xf32>
        %add3A_291 = arith.constant 16 : i32
        %add3A_292 = arith.addi %mul3A_283, %add3A_291 : i32
        %get3A_293 = arith.constant 7 : i32
        %get3A_294 = arith.index_cast %get3A_293 : i32 to index
        %get3A_295 = arith.index_cast %add3A_292 : i32 to index
        %get3A_296 = tpu.vector_load %arg4[%get3A_294, %get3A_295] {strides = array<i32>} : memref<8x6144xf32, #tpu.memory_space<vmem>>, vector<1x16xf32>,
        %get3A_297 = vector.shape_cast %get3A_296 : vector<1x16xf32> to vector<16xf32>
        %add3A_298 = arith.addf %scan3A_279, %get3A_297 : vector<16xf32>
        %add3A_299 = arith.constant 32 : i32
        %add3A_300 = arith.addi %mul3A_283, %add3A_299 : i32
        %get3A_301 = arith.constant 7 : i32
        %get3A_302 = arith.index_cast %get3A_301 : i32 to index
        %get3A_303 = arith.index_cast %add3A_300 : i32 to index
        %get3A_304 = tpu.vector_load %arg4[%get3A_302, %get3A_303] {strides = array<i32>} : memref<8x6144xf32, #tpu.memory_space<vmem>>, vector<1x16xf32>,
        %get3A_305 = vector.shape_cast %get3A_304 : vector<1x16xf32> to vector<16xf32>
        %add3A_306 = arith.addf %scan3A_280, %get3A_305 : vector<16xf32>
        %add3A_307 = arith.constant 48 : i32
        %add3A_308 = arith.addi %mul3A_283, %add3A_307 : i32
        %get3A_309 = arith.constant 7 : i32
        %get3A_310 = arith.index_cast %get3A_309 : i32 to index
        %get3A_311 = arith.index_cast %add3A_308 : i32 to index
        %get3A_312 = tpu.vector_load %arg4[%get3A_310, %get3A_311] {strides = array<i32>} : memref<8x6144xf32, #tpu.memory_space<vmem>>, vector<1x16xf32>,
        %get3A_313 = vector.shape_cast %get3A_312 : vector<1x16xf32> to vector<16xf32>
        %add3A_314 = arith.addf %scan3A_281, %get3A_313 : vector<16xf32>
        scf.yield %add3A_290, %add3A_298, %add3A_306, %add3A_314 : vector<16xf32>, vector<16xf32>, vector<16xf32>, vector<16xf32>
      }
      %scan3A_171 = arith.constant 96 : i32
      %mul3A_172 = arith.constant 2 : i32
      %mul3A_173 = arith.muli %mul3A_172, %scan3A_62 : i32
      %add3A_174 = arith.constant 2 : i32
      %add3A_175 = arith.addi %mul3A_173, %add3A_174 : i32
      %min3A_176 = arith.constant 31 : i32
      %min3A_177 = arith.minsi %add3A_175, %min3A_176 : i32
      %jit3A_178 = arith.constant 8 : i32
      %div3A_179 = arith.divsi %min3A_177, %jit3A_178 : i32
      %sign3A_180 = arith.constant 0 : i32
      %sign3A_181 = arith.cmpi sgt, %min3A_177, %sign3A_180 : i32
      %sign3A_182 = arith.extui %sign3A_181 : i1 to i32
      %sign3A_183 = arith.constant 0 : i32
      %sign3A_184 = arith.cmpi slt, %min3A_177, %sign3A_183 : i32
      %sign3A_185 = arith.extui %sign3A_184 : i1 to i32
      %sign3A_186 = arith.subi %sign3A_182, %sign3A_185 : i32
      %sign3A_187 = arith.constant 0 : i32
      %sign3A_188 = arith.cmpi sgt, %jit3A_178, %sign3A_187 : i32
      %sign3A_189 = arith.extui %sign3A_188 : i1 to i32
      %sign3A_190 = arith.constant 0 : i32
      %sign3A_191 = arith.cmpi slt, %jit3A_178, %sign3A_190 : i32
      %sign3A_192 = arith.extui %sign3A_191 : i1 to i32
      %sign3A_193 = arith.subi %sign3A_189, %sign3A_192 : i32
      %ne3A_194 = arith.cmpi ne, %sign3A_186, %sign3A_193 : i32
      %rem3A_195 = arith.remsi %min3A_177, %jit3A_178 : i32
      %ne3A_196 = arith.constant 0 : i32
      %ne3A_197 = arith.cmpi ne, %rem3A_195, %ne3A_196 : i32
      %and3A_198 = arith.andi %ne3A_194, %ne3A_197 : i1
      %sub3A_199 = arith.constant 1 : i32
      %sub3A_200 = arith.subi %div3A_179, %sub3A_199 : i32
      %select_n3A_201 = arith.select %and3A_198, %sub3A_200, %div3A_179 : i32
      %jit3A_202 = arith.constant 8 : i32
      %eq3A_203 = arith.constant 0 : i32
      %eq3A_204 = arith.cmpi eq, %jit3A_202, %eq3A_203 : i32
      %jit3A_205 = arith.constant 1 : i32
      %select_n3A_206 = arith.select %eq3A_204, %jit3A_205, %jit3A_202 : i32
      %rem3A_207 = arith.remsi %min3A_177, %select_n3A_206 : i32
      %ne3A_208 = arith.constant 0 : i32
      %ne3A_209 = arith.cmpi ne, %rem3A_207, %ne3A_208 : i32
      %lt3A_210 = arith.constant 0 : i32
      %lt3A_211 = arith.cmpi slt, %rem3A_207, %lt3A_210 : i32
      %lt3A_212 = arith.constant 0 : i32
      %lt3A_213 = arith.cmpi slt, %select_n3A_206, %lt3A_212 : i32
      %ne3A_214 = arith.xori %lt3A_211, %lt3A_213 : i1
      %and3A_215 = arith.andi %ne3A_214, %ne3A_209 : i1
      %add3A_216 = arith.addi %rem3A_207, %select_n3A_206 : i32
      %select_n3A_217 = arith.select %and3A_215, %add3A_216, %rem3A_207 : i32
      %mul3A_218 = arith.constant 8 : i32
      %mul3A_219 = arith.muli %select_n3A_201, %mul3A_218 : i32
      %add3A_220 = arith.addi %mul3A_2, %mul3A_219 : i32
      %mul3A_221 = arith.constant 6144 : i32
      %mul3A_222 = arith.muli %select_n3A_217, %mul3A_221 : i32
      %dma_start3A_223 = tpu.memref_slice %arg2[%add3A_220, %mul3A_222] : memref<1024x100000xf32, #tpu.memory_space<hbm>> -> memref<8x6144xf32, #tpu.memory_space<hbm>>
      %dma_start3A_224 = tpu.memref_slice %arg2[%add3A_220, %mul3A_222] : memref<1024x100000xf32, #tpu.memory_space<hbm>> -> memref<8x6144xf32, #tpu.memory_space<hbm>>
      tpu.enqueue_dma source(%dma_start3A_224 : memref<8x6144xf32, #tpu.memory_space<hbm>>) target(%arg4 : memref<8x6144xf32, #tpu.memory_space<vmem>>) target_semaphore(%arg7 : memref<!tpu.dma_semaphore, #tpu.memory_space<semaphore_mem>>)
      %dma_wait3A_225 = arith.constant 0 : i32
      %dma_wait3A_226 = tpu.memref_slice %arg2[%mul3A_2, %dma_wait3A_225] : memref<1024x100000xf32, #tpu.memory_space<hbm>> -> memref<8x6144xf32, #tpu.memory_space<hbm>>
      %dma_wait3A_227 = arith.constant 0 : i32
      %dma_wait3A_228 = tpu.memref_slice %arg2[%mul3A_2, %dma_wait3A_227] : memref<1024x100000xf32, #tpu.memory_space<hbm>> -> memref<8x6144xf32, #tpu.memory_space<hbm>>
      tpu.wait_dma2 semaphore(%arg8 : memref<!tpu.dma_semaphore, #tpu.memory_space<semaphore_mem>>) src(%dma_wait3A_228 : memref<8x6144xf32, #tpu.memory_space<hbm>>) dst(%arg5 : memref<8x6144xf32, #tpu.memory_space<vmem>>)
      %scan3A_229 = arith.constant 0 : i32
      %scan3A_230 = arith.constant 96 : i32
      %scan3A_231 = arith.addi %scan3A_229, %scan3A_230 : i32
      %scan3A_232 = arith.constant 1 : i32
      %scan3A_233:4 = scf.for %scan3A_277 = %scan3A_229 to %scan3A_231 step %scan3A_232 iter_args(%scan3A_278 = %scan3A_170#0, %scan3A_279 = %scan3A_170#1, %scan3A_280 = %scan3A_170#2, %scan3A_281 = %scan3A_170#3) -> (vector<16xf32>, vector<16xf32>, vector<16xf32>, vector<16xf32>)  : i32 {
        %mul3A_282 = arith.constant 64 : i32
        %mul3A_283 = arith.muli %scan3A_277, %mul3A_282 : i32
        %add3A_284 = arith.constant 0 : i32
        %add3A_285 = arith.addi %mul3A_283, %add3A_284 : i32
        %get3A = arith.constant 0 : i32
        %get3A_286 = arith.index_cast %get3A : i32 to index
        %get3A_287 = arith.index_cast %add3A_285 : i32 to index
        %get3A_288 = tpu.vector_load %arg5[%get3A_286, %get3A_287] {strides = array<i32>} : memref<8x6144xf32, #tpu.memory_space<vmem>>, vector<1x16xf32>,
        %get3A_289 = vector.shape_cast %get3A_288 : vector<1x16xf32> to vector<16xf32>
        %add3A_290 = arith.addf %scan3A_278, %get3A_289 : vector<16xf32>
        %add3A_291 = arith.constant 16 : i32
        %add3A_292 = arith.addi %mul3A_283, %add3A_291 : i32
        %get3A_293 = arith.constant 0 : i32
        %get3A_294 = arith.index_cast %get3A_293 : i32 to index
        %get3A_295 = arith.index_cast %add3A_292 : i32 to index
        %get3A_296 = tpu.vector_load %arg5[%get3A_294, %get3A_295] {strides = array<i32>} : memref<8x6144xf32, #tpu.memory_space<vmem>>, vector<1x16xf32>,
        %get3A_297 = vector.shape_cast %get3A_296 : vector<1x16xf32> to vector<16xf32>
        %add3A_298 = arith.addf %scan3A_279, %get3A_297 : vector<16xf32>
        %add3A_299 = arith.constant 32 : i32
        %add3A_300 = arith.addi %mul3A_283, %add3A_299 : i32
        %get3A_301 = arith.constant 0 : i32
        %get3A_302 = arith.index_cast %get3A_301 : i32 to index
        %get3A_303 = arith.index_cast %add3A_300 : i32 to index
        %get3A_304 = tpu.vector_load %arg5[%get3A_302, %get3A_303] {strides = array<i32>} : memref<8x6144xf32, #tpu.memory_space<vmem>>, vector<1x16xf32>,
        %get3A_305 = vector.shape_cast %get3A_304 : vector<1x16xf32> to vector<16xf32>
        %add3A_306 = arith.addf %scan3A_280, %get3A_305 : vector<16xf32>
        %add3A_307 = arith.constant 48 : i32
        %add3A_308 = arith.addi %mul3A_283, %add3A_307 : i32
        %get3A_309 = arith.constant 0 : i32
        %get3A_310 = arith.index_cast %get3A_309 : i32 to index
        %get3A_311 = arith.index_cast %add3A_308 : i32 to index
        %get3A_312 = tpu.vector_load %arg5[%get3A_310, %get3A_311] {strides = array<i32>} : memref<8x6144xf32, #tpu.memory_space<vmem>>, vector<1x16xf32>,
        %get3A_313 = vector.shape_cast %get3A_312 : vector<1x16xf32> to vector<16xf32>
        %add3A_314 = arith.addf %scan3A_281, %get3A_313 : vector<16xf32>
        scf.yield %add3A_290, %add3A_298, %add3A_306, %add3A_314 : vector<16xf32>, vector<16xf32>, vector<16xf32>, vector<16xf32>
      }
      %scan3A_234 = arith.constant 96 : i32
      %scan3A_235 = arith.constant 0 : i32
      %scan3A_236 = arith.constant 96 : i32
      %scan3A_237 = arith.addi %scan3A_235, %scan3A_236 : i32
      %scan3A_238 = arith.constant 1 : i32
      %scan3A_239:4 = scf.for %scan3A_277 = %scan3A_235 to %scan3A_237 step %scan3A_238 iter_args(%scan3A_278 = %scan3A_233#0, %scan3A_279 = %scan3A_233#1, %scan3A_280 = %scan3A_233#2, %scan3A_281 = %scan3A_233#3) -> (vector<16xf32>, vector<16xf32>, vector<16xf32>, vector<16xf32>)  : i32 {
        %mul3A_282 = arith.constant 64 : i32
        %mul3A_283 = arith.muli %scan3A_277, %mul3A_282 : i32
        %add3A_284 = arith.constant 0 : i32
        %add3A_285 = arith.addi %mul3A_283, %add3A_284 : i32
        %get3A = arith.constant 1 : i32
        %get3A_286 = arith.index_cast %get3A : i32 to index
        %get3A_287 = arith.index_cast %add3A_285 : i32 to index
        %get3A_288 = tpu.vector_load %arg5[%get3A_286, %get3A_287] {strides = array<i32>} : memref<8x6144xf32, #tpu.memory_space<vmem>>, vector<1x16xf32>,
        %get3A_289 = vector.shape_cast %get3A_288 : vector<1x16xf32> to vector<16xf32>
        %add3A_290 = arith.addf %scan3A_278, %get3A_289 : vector<16xf32>
        %add3A_291 = arith.constant 16 : i32
        %add3A_292 = arith.addi %mul3A_283, %add3A_291 : i32
        %get3A_293 = arith.constant 1 : i32
        %get3A_294 = arith.index_cast %get3A_293 : i32 to index
        %get3A_295 = arith.index_cast %add3A_292 : i32 to index
        %get3A_296 = tpu.vector_load %arg5[%get3A_294, %get3A_295] {strides = array<i32>} : memref<8x6144xf32, #tpu.memory_space<vmem>>, vector<1x16xf32>,
        %get3A_297 = vector.shape_cast %get3A_296 : vector<1x16xf32> to vector<16xf32>
        %add3A_298 = arith.addf %scan3A_279, %get3A_297 : vector<16xf32>
        %add3A_299 = arith.constant 32 : i32
        %add3A_300 = arith.addi %mul3A_283, %add3A_299 : i32
        %get3A_301 = arith.constant 1 : i32
        %get3A_302 = arith.index_cast %get3A_301 : i32 to index
        %get3A_303 = arith.index_cast %add3A_300 : i32 to index
        %get3A_304 = tpu.vector_load %arg5[%get3A_302, %get3A_303] {strides = array<i32>} : memref<8x6144xf32, #tpu.memory_space<vmem>>, vector<1x16xf32>,
        %get3A_305 = vector.shape_cast %get3A_304 : vector<1x16xf32> to vector<16xf32>
        %add3A_306 = arith.addf %scan3A_280, %get3A_305 : vector<16xf32>
        %add3A_307 = arith.constant 48 : i32
        %add3A_308 = arith.addi %mul3A_283, %add3A_307 : i32
        %get3A_309 = arith.constant 1 : i32
        %get3A_310 = arith.index_cast %get3A_309 : i32 to index
        %get3A_311 = arith.index_cast %add3A_308 : i32 to index
        %get3A_312 = tpu.vector_load %arg5[%get3A_310, %get3A_311] {strides = array<i32>} : memref<8x6144xf32, #tpu.memory_space<vmem>>, vector<1x16xf32>,
        %get3A_313 = vector.shape_cast %get3A_312 : vector<1x16xf32> to vector<16xf32>
        %add3A_314 = arith.addf %scan3A_281, %get3A_313 : vector<16xf32>
        scf.yield %add3A_290, %add3A_298, %add3A_306, %add3A_314 : vector<16xf32>, vector<16xf32>, vector<16xf32>, vector<16xf32>
      }
      %scan3A_240 = arith.constant 96 : i32
      %scan3A_241 = arith.constant 0 : i32
      %scan3A_242 = arith.constant 96 : i32
      %scan3A_243 = arith.addi %scan3A_241, %scan3A_242 : i32
      %scan3A_244 = arith.constant 1 : i32
      %scan3A_245:4 = scf.for %scan3A_277 = %scan3A_241 to %scan3A_243 step %scan3A_244 iter_args(%scan3A_278 = %scan3A_239#0, %scan3A_279 = %scan3A_239#1, %scan3A_280 = %scan3A_239#2, %scan3A_281 = %scan3A_239#3) -> (vector<16xf32>, vector<16xf32>, vector<16xf32>, vector<16xf32>)  : i32 {
        %mul3A_282 = arith.constant 64 : i32
        %mul3A_283 = arith.muli %scan3A_277, %mul3A_282 : i32
        %add3A_284 = arith.constant 0 : i32
        %add3A_285 = arith.addi %mul3A_283, %add3A_284 : i32
        %get3A = arith.constant 2 : i32
        %get3A_286 = arith.index_cast %get3A : i32 to index
        %get3A_287 = arith.index_cast %add3A_285 : i32 to index
        %get3A_288 = tpu.vector_load %arg5[%get3A_286, %get3A_287] {strides = array<i32>} : memref<8x6144xf32, #tpu.memory_space<vmem>>, vector<1x16xf32>,
        %get3A_289 = vector.shape_cast %get3A_288 : vector<1x16xf32> to vector<16xf32>
        %add3A_290 = arith.addf %scan3A_278, %get3A_289 : vector<16xf32>
        %add3A_291 = arith.constant 16 : i32
        %add3A_292 = arith.addi %mul3A_283, %add3A_291 : i32
        %get3A_293 = arith.constant 2 : i32
        %get3A_294 = arith.index_cast %get3A_293 : i32 to index
        %get3A_295 = arith.index_cast %add3A_292 : i32 to index
        %get3A_296 = tpu.vector_load %arg5[%get3A_294, %get3A_295] {strides = array<i32>} : memref<8x6144xf32, #tpu.memory_space<vmem>>, vector<1x16xf32>,
        %get3A_297 = vector.shape_cast %get3A_296 : vector<1x16xf32> to vector<16xf32>
        %add3A_298 = arith.addf %scan3A_279, %get3A_297 : vector<16xf32>
        %add3A_299 = arith.constant 32 : i32
        %add3A_300 = arith.addi %mul3A_283, %add3A_299 : i32
        %get3A_301 = arith.constant 2 : i32
        %get3A_302 = arith.index_cast %get3A_301 : i32 to index
        %get3A_303 = arith.index_cast %add3A_300 : i32 to index
        %get3A_304 = tpu.vector_load %arg5[%get3A_302, %get3A_303] {strides = array<i32>} : memref<8x6144xf32, #tpu.memory_space<vmem>>, vector<1x16xf32>,
        %get3A_305 = vector.shape_cast %get3A_304 : vector<1x16xf32> to vector<16xf32>
        %add3A_306 = arith.addf %scan3A_280, %get3A_305 : vector<16xf32>
        %add3A_307 = arith.constant 48 : i32
        %add3A_308 = arith.addi %mul3A_283, %add3A_307 : i32
        %get3A_309 = arith.constant 2 : i32
        %get3A_310 = arith.index_cast %get3A_309 : i32 to index
        %get3A_311 = arith.index_cast %add3A_308 : i32 to index
        %get3A_312 = tpu.vector_load %arg5[%get3A_310, %get3A_311] {strides = array<i32>} : memref<8x6144xf32, #tpu.memory_space<vmem>>, vector<1x16xf32>,
        %get3A_313 = vector.shape_cast %get3A_312 : vector<1x16xf32> to vector<16xf32>
        %add3A_314 = arith.addf %scan3A_281, %get3A_313 : vector<16xf32>
        scf.yield %add3A_290, %add3A_298, %add3A_306, %add3A_314 : vector<16xf32>, vector<16xf32>, vector<16xf32>, vector<16xf32>
      }
      %scan3A_246 = arith.constant 96 : i32
      %scan3A_247 = arith.constant 0 : i32
      %scan3A_248 = arith.constant 96 : i32
      %scan3A_249 = arith.addi %scan3A_247, %scan3A_248 : i32
      %scan3A_250 = arith.constant 1 : i32
      %scan3A_251:4 = scf.for %scan3A_277 = %scan3A_247 to %scan3A_249 step %scan3A_250 iter_args(%scan3A_278 = %scan3A_245#0, %scan3A_279 = %scan3A_245#1, %scan3A_280 = %scan3A_245#2, %scan3A_281 = %scan3A_245#3) -> (vector<16xf32>, vector<16xf32>, vector<16xf32>, vector<16xf32>)  : i32 {
        %mul3A_282 = arith.constant 64 : i32
        %mul3A_283 = arith.muli %scan3A_277, %mul3A_282 : i32
        %add3A_284 = arith.constant 0 : i32
        %add3A_285 = arith.addi %mul3A_283, %add3A_284 : i32
        %get3A = arith.constant 3 : i32
        %get3A_286 = arith.index_cast %get3A : i32 to index
        %get3A_287 = arith.index_cast %add3A_285 : i32 to index
        %get3A_288 = tpu.vector_load %arg5[%get3A_286, %get3A_287] {strides = array<i32>} : memref<8x6144xf32, #tpu.memory_space<vmem>>, vector<1x16xf32>,
        %get3A_289 = vector.shape_cast %get3A_288 : vector<1x16xf32> to vector<16xf32>
        %add3A_290 = arith.addf %scan3A_278, %get3A_289 : vector<16xf32>
        %add3A_291 = arith.constant 16 : i32
        %add3A_292 = arith.addi %mul3A_283, %add3A_291 : i32
        %get3A_293 = arith.constant 3 : i32
        %get3A_294 = arith.index_cast %get3A_293 : i32 to index
        %get3A_295 = arith.index_cast %add3A_292 : i32 to index
        %get3A_296 = tpu.vector_load %arg5[%get3A_294, %get3A_295] {strides = array<i32>} : memref<8x6144xf32, #tpu.memory_space<vmem>>, vector<1x16xf32>,
        %get3A_297 = vector.shape_cast %get3A_296 : vector<1x16xf32> to vector<16xf32>
        %add3A_298 = arith.addf %scan3A_279, %get3A_297 : vector<16xf32>
        %add3A_299 = arith.constant 32 : i32
        %add3A_300 = arith.addi %mul3A_283, %add3A_299 : i32
        %get3A_301 = arith.constant 3 : i32
        %get3A_302 = arith.index_cast %get3A_301 : i32 to index
        %get3A_303 = arith.index_cast %add3A_300 : i32 to index
        %get3A_304 = tpu.vector_load %arg5[%get3A_302, %get3A_303] {strides = array<i32>} : memref<8x6144xf32, #tpu.memory_space<vmem>>, vector<1x16xf32>,
        %get3A_305 = vector.shape_cast %get3A_304 : vector<1x16xf32> to vector<16xf32>
        %add3A_306 = arith.addf %scan3A_280, %get3A_305 : vector<16xf32>
        %add3A_307 = arith.constant 48 : i32
        %add3A_308 = arith.addi %mul3A_283, %add3A_307 : i32
        %get3A_309 = arith.constant 3 : i32
        %get3A_310 = arith.index_cast %get3A_309 : i32 to index
        %get3A_311 = arith.index_cast %add3A_308 : i32 to index
        %get3A_312 = tpu.vector_load %arg5[%get3A_310, %get3A_311] {strides = array<i32>} : memref<8x6144xf32, #tpu.memory_space<vmem>>, vector<1x16xf32>,
        %get3A_313 = vector.shape_cast %get3A_312 : vector<1x16xf32> to vector<16xf32>
        %add3A_314 = arith.addf %scan3A_281, %get3A_313 : vector<16xf32>
        scf.yield %add3A_290, %add3A_298, %add3A_306, %add3A_314 : vector<16xf32>, vector<16xf32>, vector<16xf32>, vector<16xf32>
      }
      %scan3A_252 = arith.constant 96 : i32
      %scan3A_253 = arith.constant 0 : i32
      %scan3A_254 = arith.constant 96 : i32
      %scan3A_255 = arith.addi %scan3A_253, %scan3A_254 : i32
      %scan3A_256 = arith.constant 1 : i32
      %scan3A_257:4 = scf.for %scan3A_277 = %scan3A_253 to %scan3A_255 step %scan3A_256 iter_args(%scan3A_278 = %scan3A_251#0, %scan3A_279 = %scan3A_251#1, %scan3A_280 = %scan3A_251#2, %scan3A_281 = %scan3A_251#3) -> (vector<16xf32>, vector<16xf32>, vector<16xf32>, vector<16xf32>)  : i32 {
        %mul3A_282 = arith.constant 64 : i32
        %mul3A_283 = arith.muli %scan3A_277, %mul3A_282 : i32
        %add3A_284 = arith.constant 0 : i32
        %add3A_285 = arith.addi %mul3A_283, %add3A_284 : i32
        %get3A = arith.constant 4 : i32
        %get3A_286 = arith.index_cast %get3A : i32 to index
        %get3A_287 = arith.index_cast %add3A_285 : i32 to index
        %get3A_288 = tpu.vector_load %arg5[%get3A_286, %get3A_287] {strides = array<i32>} : memref<8x6144xf32, #tpu.memory_space<vmem>>, vector<1x16xf32>,
        %get3A_289 = vector.shape_cast %get3A_288 : vector<1x16xf32> to vector<16xf32>
        %add3A_290 = arith.addf %scan3A_278, %get3A_289 : vector<16xf32>
        %add3A_291 = arith.constant 16 : i32
        %add3A_292 = arith.addi %mul3A_283, %add3A_291 : i32
        %get3A_293 = arith.constant 4 : i32
        %get3A_294 = arith.index_cast %get3A_293 : i32 to index
        %get3A_295 = arith.index_cast %add3A_292 : i32 to index
        %get3A_296 = tpu.vector_load %arg5[%get3A_294, %get3A_295] {strides = array<i32>} : memref<8x6144xf32, #tpu.memory_space<vmem>>, vector<1x16xf32>,
        %get3A_297 = vector.shape_cast %get3A_296 : vector<1x16xf32> to vector<16xf32>
        %add3A_298 = arith.addf %scan3A_279, %get3A_297 : vector<16xf32>
        %add3A_299 = arith.constant 32 : i32
        %add3A_300 = arith.addi %mul3A_283, %add3A_299 : i32
        %get3A_301 = arith.constant 4 : i32
        %get3A_302 = arith.index_cast %get3A_301 : i32 to index
        %get3A_303 = arith.index_cast %add3A_300 : i32 to index
        %get3A_304 = tpu.vector_load %arg5[%get3A_302, %get3A_303] {strides = array<i32>} : memref<8x6144xf32, #tpu.memory_space<vmem>>, vector<1x16xf32>,
        %get3A_305 = vector.shape_cast %get3A_304 : vector<1x16xf32> to vector<16xf32>
        %add3A_306 = arith.addf %scan3A_280, %get3A_305 : vector<16xf32>
        %add3A_307 = arith.constant 48 : i32
        %add3A_308 = arith.addi %mul3A_283, %add3A_307 : i32
        %get3A_309 = arith.constant 4 : i32
        %get3A_310 = arith.index_cast %get3A_309 : i32 to index
        %get3A_311 = arith.index_cast %add3A_308 : i32 to index
        %get3A_312 = tpu.vector_load %arg5[%get3A_310, %get3A_311] {strides = array<i32>} : memref<8x6144xf32, #tpu.memory_space<vmem>>, vector<1x16xf32>,
        %get3A_313 = vector.shape_cast %get3A_312 : vector<1x16xf32> to vector<16xf32>
        %add3A_314 = arith.addf %scan3A_281, %get3A_313 : vector<16xf32>
        scf.yield %add3A_290, %add3A_298, %add3A_306, %add3A_314 : vector<16xf32>, vector<16xf32>, vector<16xf32>, vector<16xf32>
      }
      %scan3A_258 = arith.constant 96 : i32
      %scan3A_259 = arith.constant 0 : i32
      %scan3A_260 = arith.constant 96 : i32
      %scan3A_261 = arith.addi %scan3A_259, %scan3A_260 : i32
      %scan3A_262 = arith.constant 1 : i32
      %scan3A_263:4 = scf.for %scan3A_277 = %scan3A_259 to %scan3A_261 step %scan3A_262 iter_args(%scan3A_278 = %scan3A_257#0, %scan3A_279 = %scan3A_257#1, %scan3A_280 = %scan3A_257#2, %scan3A_281 = %scan3A_257#3) -> (vector<16xf32>, vector<16xf32>, vector<16xf32>, vector<16xf32>)  : i32 {
        %mul3A_282 = arith.constant 64 : i32
        %mul3A_283 = arith.muli %scan3A_277, %mul3A_282 : i32
        %add3A_284 = arith.constant 0 : i32
        %add3A_285 = arith.addi %mul3A_283, %add3A_284 : i32
        %get3A = arith.constant 5 : i32
        %get3A_286 = arith.index_cast %get3A : i32 to index
        %get3A_287 = arith.index_cast %add3A_285 : i32 to index
        %get3A_288 = tpu.vector_load %arg5[%get3A_286, %get3A_287] {strides = array<i32>} : memref<8x6144xf32, #tpu.memory_space<vmem>>, vector<1x16xf32>,
        %get3A_289 = vector.shape_cast %get3A_288 : vector<1x16xf32> to vector<16xf32>
        %add3A_290 = arith.addf %scan3A_278, %get3A_289 : vector<16xf32>
        %add3A_291 = arith.constant 16 : i32
        %add3A_292 = arith.addi %mul3A_283, %add3A_291 : i32
        %get3A_293 = arith.constant 5 : i32
        %get3A_294 = arith.index_cast %get3A_293 : i32 to index
        %get3A_295 = arith.index_cast %add3A_292 : i32 to index
        %get3A_296 = tpu.vector_load %arg5[%get3A_294, %get3A_295] {strides = array<i32>} : memref<8x6144xf32, #tpu.memory_space<vmem>>, vector<1x16xf32>,
        %get3A_297 = vector.shape_cast %get3A_296 : vector<1x16xf32> to vector<16xf32>
        %add3A_298 = arith.addf %scan3A_279, %get3A_297 : vector<16xf32>
        %add3A_299 = arith.constant 32 : i32
        %add3A_300 = arith.addi %mul3A_283, %add3A_299 : i32
        %get3A_301 = arith.constant 5 : i32
        %get3A_302 = arith.index_cast %get3A_301 : i32 to index
        %get3A_303 = arith.index_cast %add3A_300 : i32 to index
        %get3A_304 = tpu.vector_load %arg5[%get3A_302, %get3A_303] {strides = array<i32>} : memref<8x6144xf32, #tpu.memory_space<vmem>>, vector<1x16xf32>,
        %get3A_305 = vector.shape_cast %get3A_304 : vector<1x16xf32> to vector<16xf32>
        %add3A_306 = arith.addf %scan3A_280, %get3A_305 : vector<16xf32>
        %add3A_307 = arith.constant 48 : i32
        %add3A_308 = arith.addi %mul3A_283, %add3A_307 : i32
        %get3A_309 = arith.constant 5 : i32
        %get3A_310 = arith.index_cast %get3A_309 : i32 to index
        %get3A_311 = arith.index_cast %add3A_308 : i32 to index
        %get3A_312 = tpu.vector_load %arg5[%get3A_310, %get3A_311] {strides = array<i32>} : memref<8x6144xf32, #tpu.memory_space<vmem>>, vector<1x16xf32>,
        %get3A_313 = vector.shape_cast %get3A_312 : vector<1x16xf32> to vector<16xf32>
        %add3A_314 = arith.addf %scan3A_281, %get3A_313 : vector<16xf32>
        scf.yield %add3A_290, %add3A_298, %add3A_306, %add3A_314 : vector<16xf32>, vector<16xf32>, vector<16xf32>, vector<16xf32>
      }
      %scan3A_264 = arith.constant 96 : i32
      %scan3A_265 = arith.constant 0 : i32
      %scan3A_266 = arith.constant 96 : i32
      %scan3A_267 = arith.addi %scan3A_265, %scan3A_266 : i32
      %scan3A_268 = arith.constant 1 : i32
      %scan3A_269:4 = scf.for %scan3A_277 = %scan3A_265 to %scan3A_267 step %scan3A_268 iter_args(%scan3A_278 = %scan3A_263#0, %scan3A_279 = %scan3A_263#1, %scan3A_280 = %scan3A_263#2, %scan3A_281 = %scan3A_263#3) -> (vector<16xf32>, vector<16xf32>, vector<16xf32>, vector<16xf32>)  : i32 {
        %mul3A_282 = arith.constant 64 : i32
        %mul3A_283 = arith.muli %scan3A_277, %mul3A_282 : i32
        %add3A_284 = arith.constant 0 : i32
        %add3A_285 = arith.addi %mul3A_283, %add3A_284 : i32
        %get3A = arith.constant 6 : i32
        %get3A_286 = arith.index_cast %get3A : i32 to index
        %get3A_287 = arith.index_cast %add3A_285 : i32 to index
        %get3A_288 = tpu.vector_load %arg5[%get3A_286, %get3A_287] {strides = array<i32>} : memref<8x6144xf32, #tpu.memory_space<vmem>>, vector<1x16xf32>,
        %get3A_289 = vector.shape_cast %get3A_288 : vector<1x16xf32> to vector<16xf32>
        %add3A_290 = arith.addf %scan3A_278, %get3A_289 : vector<16xf32>
        %add3A_291 = arith.constant 16 : i32
        %add3A_292 = arith.addi %mul3A_283, %add3A_291 : i32
        %get3A_293 = arith.constant 6 : i32
        %get3A_294 = arith.index_cast %get3A_293 : i32 to index
        %get3A_295 = arith.index_cast %add3A_292 : i32 to index
        %get3A_296 = tpu.vector_load %arg5[%get3A_294, %get3A_295] {strides = array<i32>} : memref<8x6144xf32, #tpu.memory_space<vmem>>, vector<1x16xf32>,
        %get3A_297 = vector.shape_cast %get3A_296 : vector<1x16xf32> to vector<16xf32>
        %add3A_298 = arith.addf %scan3A_279, %get3A_297 : vector<16xf32>
        %add3A_299 = arith.constant 32 : i32
        %add3A_300 = arith.addi %mul3A_283, %add3A_299 : i32
        %get3A_301 = arith.constant 6 : i32
        %get3A_302 = arith.index_cast %get3A_301 : i32 to index
        %get3A_303 = arith.index_cast %add3A_300 : i32 to index
        %get3A_304 = tpu.vector_load %arg5[%get3A_302, %get3A_303] {strides = array<i32>} : memref<8x6144xf32, #tpu.memory_space<vmem>>, vector<1x16xf32>,
        %get3A_305 = vector.shape_cast %get3A_304 : vector<1x16xf32> to vector<16xf32>
        %add3A_306 = arith.addf %scan3A_280, %get3A_305 : vector<16xf32>
        %add3A_307 = arith.constant 48 : i32
        %add3A_308 = arith.addi %mul3A_283, %add3A_307 : i32
        %get3A_309 = arith.constant 6 : i32
        %get3A_310 = arith.index_cast %get3A_309 : i32 to index
        %get3A_311 = arith.index_cast %add3A_308 : i32 to index
        %get3A_312 = tpu.vector_load %arg5[%get3A_310, %get3A_311] {strides = array<i32>} : memref<8x6144xf32, #tpu.memory_space<vmem>>, vector<1x16xf32>,
        %get3A_313 = vector.shape_cast %get3A_312 : vector<1x16xf32> to vector<16xf32>
        %add3A_314 = arith.addf %scan3A_281, %get3A_313 : vector<16xf32>
        scf.yield %add3A_290, %add3A_298, %add3A_306, %add3A_314 : vector<16xf32>, vector<16xf32>, vector<16xf32>, vector<16xf32>
      }
      %scan3A_270 = arith.constant 96 : i32
      %scan3A_271 = arith.constant 0 : i32
      %scan3A_272 = arith.constant 96 : i32
      %scan3A_273 = arith.addi %scan3A_271, %scan3A_272 : i32
      %scan3A_274 = arith.constant 1 : i32
      %scan3A_275:4 = scf.for %scan3A_277 = %scan3A_271 to %scan3A_273 step %scan3A_274 iter_args(%scan3A_278 = %scan3A_269#0, %scan3A_279 = %scan3A_269#1, %scan3A_280 = %scan3A_269#2, %scan3A_281 = %scan3A_269#3) -> (vector<16xf32>, vector<16xf32>, vector<16xf32>, vector<16xf32>)  : i32 {
        %mul3A_282 = arith.constant 64 : i32
        %mul3A_283 = arith.muli %scan3A_277, %mul3A_282 : i32
        %add3A_284 = arith.constant 0 : i32
        %add3A_285 = arith.addi %mul3A_283, %add3A_284 : i32
        %get3A = arith.constant 7 : i32
        %get3A_286 = arith.index_cast %get3A : i32 to index
        %get3A_287 = arith.index_cast %add3A_285 : i32 to index
        %get3A_288 = tpu.vector_load %arg5[%get3A_286, %get3A_287] {strides = array<i32>} : memref<8x6144xf32, #tpu.memory_space<vmem>>, vector<1x16xf32>,
        %get3A_289 = vector.shape_cast %get3A_288 : vector<1x16xf32> to vector<16xf32>
        %add3A_290 = arith.addf %scan3A_278, %get3A_289 : vector<16xf32>
        %add3A_291 = arith.constant 16 : i32
        %add3A_292 = arith.addi %mul3A_283, %add3A_291 : i32
        %get3A_293 = arith.constant 7 : i32
        %get3A_294 = arith.index_cast %get3A_293 : i32 to index
        %get3A_295 = arith.index_cast %add3A_292 : i32 to index
        %get3A_296 = tpu.vector_load %arg5[%get3A_294, %get3A_295] {strides = array<i32>} : memref<8x6144xf32, #tpu.memory_space<vmem>>, vector<1x16xf32>,
        %get3A_297 = vector.shape_cast %get3A_296 : vector<1x16xf32> to vector<16xf32>
        %add3A_298 = arith.addf %scan3A_279, %get3A_297 : vector<16xf32>
        %add3A_299 = arith.constant 32 : i32
        %add3A_300 = arith.addi %mul3A_283, %add3A_299 : i32
        %get3A_301 = arith.constant 7 : i32
        %get3A_302 = arith.index_cast %get3A_301 : i32 to index
        %get3A_303 = arith.index_cast %add3A_300 : i32 to index
        %get3A_304 = tpu.vector_load %arg5[%get3A_302, %get3A_303] {strides = array<i32>} : memref<8x6144xf32, #tpu.memory_space<vmem>>, vector<1x16xf32>,
        %get3A_305 = vector.shape_cast %get3A_304 : vector<1x16xf32> to vector<16xf32>
        %add3A_306 = arith.addf %scan3A_280, %get3A_305 : vector<16xf32>
        %add3A_307 = arith.constant 48 : i32
        %add3A_308 = arith.addi %mul3A_283, %add3A_307 : i32
        %get3A_309 = arith.constant 7 : i32
        %get3A_310 = arith.index_cast %get3A_309 : i32 to index
        %get3A_311 = arith.index_cast %add3A_308 : i32 to index
        %get3A_312 = tpu.vector_load %arg5[%get3A_310, %get3A_311] {strides = array<i32>} : memref<8x6144xf32, #tpu.memory_space<vmem>>, vector<1x16xf32>,
        %get3A_313 = vector.shape_cast %get3A_312 : vector<1x16xf32> to vector<16xf32>
        %add3A_314 = arith.addf %scan3A_281, %get3A_313 : vector<16xf32>
        scf.yield %add3A_290, %add3A_298, %add3A_306, %add3A_314 : vector<16xf32>, vector<16xf32>, vector<16xf32>, vector<16xf32>
      }
      %scan3A_276 = arith.constant 96 : i32
      scf.yield %scan3A_275#0, %scan3A_275#1, %scan3A_275#2, %scan3A_275#3 : vector<16xf32>, vector<16xf32>, vector<16xf32>, vector<16xf32>
    }
    %scan3A_52 = arith.constant 16 : i32
    %dma_wait3A = arith.constant 0 : i32
    %dma_wait3A_53 = tpu.memref_slice %arg2[%mul3A_2, %dma_wait3A] : memref<1024x100000xf32, #tpu.memory_space<hbm>> -> memref<8x6144xf32, #tpu.memory_space<hbm>>
    %dma_wait3A_54 = arith.constant 0 : i32
    %dma_wait3A_55 = tpu.memref_slice %arg2[%mul3A_2, %dma_wait3A_54] : memref<1024x100000xf32, #tpu.memory_space<hbm>> -> memref<8x6144xf32, #tpu.memory_space<hbm>>
    tpu.wait_dma2 semaphore(%arg7 : memref<!tpu.dma_semaphore, #tpu.memory_space<semaphore_mem>>) src(%dma_wait3A_55 : memref<8x6144xf32, #tpu.memory_space<hbm>>) dst(%arg4 : memref<8x6144xf32, #tpu.memory_space<vmem>>)
    %add3A_56 = arith.addf %scan3A_51#0, %scan3A_51#1 : vector<16xf32>
    %add3A_57 = arith.addf %add3A_56, %scan3A_51#2 : vector<16xf32>
    %add3A_58 = arith.addf %add3A_57, %scan3A_51#3 : vector<16xf32>
    %swap3A = arith.constant 0 : index
    %swap3A_59 = tpu.vector_load %arg6[%swap3A] {strides = array<i32>} : memref<16xf32, #tpu.memory_space<vmem>>, vector<16xf32>,
    %swap3A_60 = vector.shape_cast %swap3A_59 : vector<16xf32> to vector<16xf32>
    %swap3A_61 = vector.shape_cast %add3A_58 : vector<16xf32> to vector<16xf32>
    tpu.vector_store %arg6[%swap3A], %swap3A_61 {strides = array<i32>} : memref<16xf32, #tpu.memory_space<vmem>>, vector<16xf32>,
    "tpu.region"() ({
      %run_scoped3A = tpu.sem_alloc : memref<!tpu.dma_semaphore, #tpu.memory_space<semaphore_mem>>
      %dma_start3A_62 = arith.constant 0 : i32
      %dma_start3A_63 = tpu.memref_slice %arg3[%add3A, %dma_start3A_62] : memref<32x16xf32, #tpu.memory_space<hbm>> -> memref<1x16xf32, #tpu.memory_space<hbm>>
      %dma_start3A_64 = tpu.memref_squeeze %dma_start3A_63 : memref<1x16xf32, #tpu.memory_space<hbm>> -> memref<16xf32, #tpu.memory_space<hbm>>
      %dma_start3A_65 = arith.constant 0 : i32
      %dma_start3A_66 = tpu.memref_slice %arg3[%add3A, %dma_start3A_65] : memref<32x16xf32, #tpu.memory_space<hbm>> -> memref<1x16xf32, #tpu.memory_space<hbm>>
      %dma_start3A_67 = tpu.memref_squeeze %dma_start3A_66 : memref<1x16xf32, #tpu.memory_space<hbm>> -> memref<16xf32, #tpu.memory_space<hbm>>
      tpu.enqueue_dma source(%arg6 : memref<16xf32, #tpu.memory_space<vmem>>) target(%dma_start3A_67 : memref<16xf32, #tpu.memory_space<hbm>>) target_semaphore(%run_scoped3A : memref<!tpu.dma_semaphore, #tpu.memory_space<semaphore_mem>>)
      %dma_wait3A_68 = arith.constant 0 : i32
      %dma_wait3A_69 = tpu.memref_slice %arg3[%add3A, %dma_wait3A_68] : memref<32x16xf32, #tpu.memory_space<hbm>> -> memref<1x16xf32, #tpu.memory_space<hbm>>
      %dma_wait3A_70 = tpu.memref_squeeze %dma_wait3A_69 : memref<1x16xf32, #tpu.memory_space<hbm>> -> memref<16xf32, #tpu.memory_space<hbm>>
      %dma_wait3A_71 = arith.constant 0 : i32
      %dma_wait3A_72 = tpu.memref_slice %arg3[%add3A, %dma_wait3A_71] : memref<32x16xf32, #tpu.memory_space<hbm>> -> memref<1x16xf32, #tpu.memory_space<hbm>>
      %dma_wait3A_73 = tpu.memref_squeeze %dma_wait3A_72 : memref<1x16xf32, #tpu.memory_space<hbm>> -> memref<16xf32, #tpu.memory_space<hbm>>
      tpu.wait_dma2 semaphore(%run_scoped3A : memref<!tpu.dma_semaphore, #tpu.memory_space<semaphore_mem>>) src(%arg6 : memref<16xf32, #tpu.memory_space<vmem>>) dst(%dma_wait3A_73 : memref<16xf32, #tpu.memory_space<hbm>>)
      tpu.yield
    }) : () -> ()
    return
  }
}

module attributes {stable_mosaic.version = 14 : i64} {
  func.func @_tc_body(%arg0: i32, %arg1: memref<1024x2048xf32, #tpu.memory_space<vmem>>, %arg2: memref<1x1xf32, #tpu.memory_space<vmem>>, %arg3: memref<1x1xf32, #tpu.memory_space<vmem>>) attributes {dimension_semantics = [#tpu.dimension_semantics<arbitrary>], iteration_bounds = array<i64: 25>, scalar_prefetch = 0 : i64, scratch_operands = 1 : i64, tpu.core_type = #tpu.core_type<tc>, window_params = [{transform_indices = @transform_0, window_bounds = array<i64: 1024, 2048>}, {pipeline_mode = #tpu.pipeline_mode<synchronous>, transform_indices = @transform_1, window_bounds = array<i64: 1, 1>}]} {
    %get3A = arith.constant 0 : index
    %get3A_0 = arith.constant 0 : index
    %get3A_1 = vector.load %arg1[%get3A, %get3A_0] : memref<1024x2048xf32, #tpu.memory_space<vmem>>, vector<1024x2048xf32>
    %eq3A = arith.constant 0 : i32
    %eq3A_2 = arith.cmpi eq, %arg0, %eq3A : i32
    %convert_element_type3A = arith.extui %eq3A_2 : i1 to i32
    %cond3A = arith.constant 0 : i32
    %cond3A_3 = arith.cmpi ne, %convert_element_type3A, %cond3A : i32
    scf.if %cond3A_3 {
      %broadcast_in_dim3A = arith.constant 0.000000e+00 : f32
      %broadcast_in_dim3A_19 = vector.broadcast %broadcast_in_dim3A : f32 to vector<1x1xf32>
      %swap3A_20 = arith.constant 0 : index
      %swap3A_21 = arith.constant 0 : index
      %swap3A_22 = vector.load %arg3[%swap3A_20, %swap3A_21] : memref<1x1xf32, #tpu.memory_space<vmem>>, vector<1x1xf32>
      tpu.vector_store %arg3[%swap3A_20, %swap3A_21], %broadcast_in_dim3A_19 {strides = array<i32>} : memref<1x1xf32, #tpu.memory_space<vmem>>, vector<1x1xf32>,
    } else {
    }
    %get3A_4 = arith.constant 0 : index
    %get3A_5 = arith.constant 0 : index
    %get3A_6 = vector.load %arg3[%get3A_4, %get3A_5] : memref<1x1xf32, #tpu.memory_space<vmem>>, vector<1x1xf32>
    %reduce_sum3A = vector.shape_cast %get3A_1 : vector<1024x2048xf32> to vector<1x1024x2048xf32>
    %reduce_sum3A_7 = arith.constant dense<0.000000e+00> : vector<1xf32>
    %reduce_sum3A_8 = vector.multi_reduction <add>, %reduce_sum3A, %reduce_sum3A_7 [1, 2] : vector<1x1024x2048xf32> to vector<1xf32>
    %reduce_sum3A_9 = vector.shape_cast %reduce_sum3A_8 : vector<1xf32> to vector<1x1x1xf32>
    %reduce_sum3A_10 = vector.extract %reduce_sum3A_9[0, 0, 0] : f32 from vector<1x1x1xf32>
    %add3A = vector.broadcast %reduce_sum3A_10 : f32 to vector<1x1xf32>
    %add3A_11 = arith.addf %get3A_6, %add3A : vector<1x1xf32>
    %swap3A = arith.constant 0 : index
    %swap3A_12 = arith.constant 0 : index
    %swap3A_13 = vector.load %arg3[%swap3A, %swap3A_12] : memref<1x1xf32, #tpu.memory_space<vmem>>, vector<1x1xf32>
    tpu.vector_store %arg3[%swap3A, %swap3A_12], %add3A_11 {strides = array<i32>} : memref<1x1xf32, #tpu.memory_space<vmem>>, vector<1x1xf32>,
    %eq3A_14 = arith.constant 24 : i32
    %eq3A_15 = arith.cmpi eq, %arg0, %eq3A_14 : i32
    %convert_element_type3A_16 = arith.extui %eq3A_15 : i1 to i32
    %cond3A_17 = arith.constant 0 : i32
    %cond3A_18 = arith.cmpi ne, %convert_element_type3A_16, %cond3A_17 : i32
    scf.if %cond3A_18 {
      %get3A_19 = arith.constant 0 : index
      %get3A_20 = arith.constant 0 : index
      %get3A_21 = vector.load %arg3[%get3A_19, %get3A_20] : memref<1x1xf32, #tpu.memory_space<vmem>>, vector<1x1xf32>
      %swap3A_22 = arith.constant 0 : index
      %swap3A_23 = arith.constant 0 : index
      %swap3A_24 = vector.load %arg2[%swap3A_22, %swap3A_23] : memref<1x1xf32, #tpu.memory_space<vmem>>, vector<1x1xf32>
      tpu.vector_store %arg2[%swap3A_22, %swap3A_23], %get3A_21 {strides = array<i32>} : memref<1x1xf32, #tpu.memory_space<vmem>>, vector<1x1xf32>,
    } else {
    }
    return
  }
  func.func @transform_0(%arg0: i32) -> (i32, i32) {
    %add3A = arith.constant 24 : i32
    %add3A_0 = arith.addi %arg0, %add3A : i32
    %c0_i32 = arith.constant 0 : i32
    %c0_i32_1 = arith.constant 0 : i32
    return %c0_i32, %add3A_0 : i32, i32
  }
  func.func @transform_1(%arg0: i32) -> (i32, i32) {
    %c0_i32 = arith.constant 0 : i32
    %c0_i32_0 = arith.constant 0 : i32
    %c0_i32_1 = arith.constant 0 : i32
    return %c0_i32, %c0_i32_0 : i32, i32
  }
}

</mosaic_0001>

<sc_bundles>
// kernel: kernel.4.cloned.1.call-start
scs
__scs_entry_jumppad:
0x0: {  	(pc) =	sbr.rel $0x88, $3  }
0x1: {  	(tag) =	ssettag $0x0;
	lr =	simm.s32 $0x1  }
0x2: {  	[smem:$0x3FA0] =	sst lr;
	_ =	strace $0xD0000000  }
0x3: {  	_ = 	snop  }
0x4: {  	_ = 	snop  }
0x5: {  	_ = 	snop  }
0x6: {  	_ = 	snop  }
0x7: {  	_ = 	snop  }
__scs_overlays_trampoline_lowered:
0x8: {  	[smem:$0x3FAF] =	sst s0  }
0x9: {  	[smem:$0x3FB0] =	sst s1  }
0xa: {  	[smem:$0x3FB1] =	sst s2  }
0xb: {  	[smem:$0x3FB2] =	sst s3  }
0xc: {  	[smem:$0x3FB3] =	sst s4  }
0xd: {  	[smem:$0x3FB4] =	sst s5  }
0xe: {  	[smem:$0x3FB5] =	sst s6  }
0xf: {  	[smem:$0x3FB6] =	sst s7  }
0x10: {  	[smem:$0x3FB7] =	sst s8  }
0x11: {  	[smem:$0x3FB8] =	sst s9;
	s0 =	simm.s32 @!p0 $0x0  }
0x12: {  	s1 =	sld [smem:$0x3F9E];
	s0 =	simm.s32 @p0 $0x1  }
0x13: {  	[smem:$0x3FB9] =	sst s0;
	s0 =	simm.s32 @!p1 $0x0  }
0x14: {  	s2 =	sld [smem:$0x3F9D];
	s0 =	simm.s32 @p1 $0x1  }
0x15: {  	[smem:$0x3FBA] =	sst s0;
	s0 =	simm.s32 @!p2 $0x0  }
0x16: {  	s3 =	sld [smem:$0x3FDB];
	s0 =	simm.s32 @p2 $0x1  }
0x17: {  	s4 =	simm.s32 $0x1BF5;
	[smem:$0x3FBC] =	sst s0  }
0x18: {  	s0 =	sld [smem:$0x3F9F];
	_ =	swait.ge [sflag:s4], $0x0  }
0x19: {  	s7 =	sld [smem:$0x3FA0]  }
0x1a: {  	s8 =	sadd.s32 $0xFFFFE003, lr  }
0x1b: {  	s9 =	sadd.s32 $0xFFFFFEF7, lr;
	s5 =	simm.s32 $0xFFFFFFFF;
	p2 =	slt.u32 s8, $0xFFFFF086  }
0x1c: {  	p1 =	slt.u32 s9, $0xF7A;
	s5 =	simm.s32 @!p2 $0x0  }
0x1d: {  	s5 =	simm.s32 @p1 $0x1;
	p0 =	seq.s32 s7, s2  }
0x1e: {  	s7 =	smul.u32 @!p0 $0xF7A, s2;
	p2 =	seq.s32 @!p0 s5, $0x0  }
0x1f: {  	s9 =	smul.u32 $0xF7A, s1;
	s8 =	simm.s32 @!p0 $0x1BF5;
	p2 =	por !p2, p0  }
0x20: {  	[sflag:s8] =	ssyncset.s32 @!p0 $0xFFFFF086;
	s6 =	sadd.s32 @!p0 s3, s7;
	s7 =	simm.s32 @!p0 $0x108  }
0x21: {  	s3 =	sadd.s32 s3, s9;
	s6 =	sadd.s32 @!p0 $0x88, s6;
	s7 =	simm.s32 @p2 $0x1082  }
0x22: {  	[simem:s7], [sflag:s8] =	dma.local @!p0 [hbm:s6], $0xF7A  }
0x23: {  	s9 =	sor.u32 $0xD0000000, s2;
	s6 =	simm.s32 $0x108;
	_ =	swait.ge @!p0 [sflag:s8], $0x0  }
0x24: {  	s3 =	sadd.s32 $0x88, s3;
	s6 =	simm.s32 @!p1 $0x1082;
	[sflag:s4] =	ssyncset.s32 $0xFFFFF086  }
0x25: {  	[simem:s6], [sflag:s4] =	dma.local [hbm:s3], $0xF7A  }
0x26: {  	[smem:$0x3FA0] =	sst s1;
	(tag) =	ssettag s2;
	_ =	strace s9  }
0x27: {  	s1 =	sld [smem:$0x3FB0]  }
0x28: {  	s2 =	sld [smem:$0x3FB1]  }
0x29: {  	s4 =	sld [smem:$0x3FB3]  }
0x2a: {  	p0 =	seq.s32 s5, $0x0;
	s5 =	sld [smem:$0x3FB4]  }
0x2b: {  	s6 =	sld [smem:$0x3FB5]  }
0x2c: {  	s7 =	sld [smem:$0x3FB6]  }
0x2d: {  	s3 =	simm.s32 $0x108;
	s8 =	sld [smem:$0x3FB7]  }
0x2e: {  	s3 =	simm.s32 @!p0 $0x1082;
	s9 =	sld [smem:$0x3FB8]  }
0x2f: {  	lr =	sadd.s32 s0, s3;
	s0 =	sld [smem:$0x3FAF]  }
0x30: {  	s3 =	sld [smem:$0x3FB2]  }
0x31: {  	[smem:$0x3FBB] =	sst s10  }
0x32: {  	s10 =	sld [smem:$0x3FB9];
	_ =	sdelay $0x3  }
0x33: {  	p0 =	seq.s32 s10, $0x1;
	s10 =	sld [smem:$0x3FBB];
	_ =	sdelay $0x3  }
0x34: {  	[smem:$0x3FBB] =	sst s10  }
0x35: {  	s10 =	sld [smem:$0x3FBA];
	_ =	sdelay $0x3  }
0x36: {  	p1 =	seq.s32 s10, $0x1;
	s10 =	sld [smem:$0x3FBB];
	_ =	sdelay $0x3  }
0x37: {  	[smem:$0x3FBB] =	sst s10  }
0x38: {  	s10 =	sld [smem:$0x3FBC]  }
0x39: {  	_ = 	snop;
	(pc) =	sbr.ind lr, $3  }
0x3a: {  	_ = 	snop  }
0x3b: {  	_ = 	snop  }
0x3c: {  	p2 =	seq.s32 s10, $0x1;
	s10 =	sld [smem:$0x3FBB]  }
0x3d: {  	_ =	shalt  }
0x3e: {  	_ =	shalt  }
0x3f: {  	_ =	shalt  }
0x40: {  	_ =	shalt  }
0x41: {  	_ =	shalt  }
0x42: {  	_ =	shalt  }
0x43: {  	_ =	shalt  }
0x44: {  	_ =	shalt  }
0x45: {  	_ =	shalt  }
0x46: {  	_ =	shalt  }
0x47: {  	_ =	shalt  }
0x48: {  	_ =	shalt  }
0x49: {  	_ =	shalt  }
0x4a: {  	_ =	shalt  }
0x4b: {  	_ =	shalt  }
0x4c: {  	_ =	shalt  }
0x4d: {  	_ =	shalt  }
0x4e: {  	_ =	shalt  }
0x4f: {  	_ =	shalt  }
0x50: {  	_ =	shalt  }
0x51: {  	_ =	shalt  }
0x52: {  	_ =	shalt  }
0x53: {  	_ =	shalt  }
0x54: {  	_ =	shalt  }
0x55: {  	_ =	shalt  }
0x56: {  	_ =	shalt  }
0x57: {  	_ =	shalt  }
0x58: {  	_ =	shalt  }
0x59: {  	_ =	shalt  }
0x5a: {  	_ =	shalt  }
0x5b: {  	_ =	shalt  }
0x5c: {  	_ =	shalt  }
0x5d: {  	_ =	shalt  }
0x5e: {  	_ =	shalt  }
0x5f: {  	_ =	shalt  }
0x60: {  	_ =	shalt  }
0x61: {  	_ =	shalt  }
0x62: {  	_ =	shalt  }
0x63: {  	_ =	shalt  }
0x64: {  	_ =	shalt  }
0x65: {  	_ =	shalt  }
0x66: {  	_ =	shalt  }
0x67: {  	_ =	shalt  }
0x68: {  	_ =	shalt  }
0x69: {  	_ =	shalt  }
0x6a: {  	_ =	shalt  }
0x6b: {  	_ =	shalt  }
0x6c: {  	_ =	shalt  }
0x6d: {  	_ =	shalt  }
0x6e: {  	_ =	shalt  }
0x6f: {  	_ =	shalt  }
0x70: {  	_ =	shalt  }
0x71: {  	_ =	shalt  }
0x72: {  	_ =	shalt  }
0x73: {  	_ =	shalt  }
0x74: {  	_ =	shalt  }
0x75: {  	_ =	shalt  }
0x76: {  	_ =	shalt  }
0x77: {  	_ =	shalt  }
0x78: {  	_ =	shalt  }
0x79: {  	_ =	shalt  }
0x7a: {  	_ =	shalt  }
0x7b: {  	_ =	shalt  }
0x7c: {  	_ =	shalt  }
0x7d: {  	_ =	shalt  }
0x7e: {  	_ =	shalt  }
0x7f: {  	_ =	shalt  }
0x80: {  	_ =	shalt  }
0x81: {  	_ =	shalt  }
0x82: {  	_ =	shalt  }
0x83: {  	_ =	shalt  }
0x84: {  	_ =	shalt  }
0x85: {  	_ =	shalt  }
0x86: {  	_ =	shalt  }
0x87: {  	_ =	shalt  }
.Lfunc_end0:
.L_simem_size_0:
called_computation_lowered:
.L_overlay_start_0:
0x88: {  	s2 =	sld [smem:$0x3FD9]  }
0x89: {  	s3 =	sld [smem:$0x3FFE];
	_ =	sdelay $0x1  }
0x8a: {  	s1 =	srdreg.scid  }
0x8b: {  	s0 =	sand.u32 $0x1, s1  }
0x8c: {  	s16 =	sshll.u32 s0, $0xA;
	s2 =	sadd.s32 s3, s2  }
0x8d: {  	s2 =	sadd.s32 s2, s16  }
0x8e: {  	[smem:$0x3FC7] =	sst s2  }
0x8f: {  	_ = 	snop  }
0x90: {  	(tm) =	ssettm $0x1  }
0x91: {  	s17 =	sld [smem:$0x3FFB];
	_ =	sdelay $0x3  }
0x92: {  	_ =	strace s17  }
0x93: {  	s2 =	sld [smem:$0x3FFC];
	_ =	sdelay $0x3  }
0x94: {  	_ =	strace s2  }
0x95: {  	s2 =	sld [smem:$0x3FFD];
	_ =	sdelay $0x3  }
0x96: {  	_ =	strace s2  }
0x97: {  	_ =	strace $0x8FFFFFFF  }
0x98: {  	s18 =	sld [smem:$0x3FDB];
	_ =	sdelay $0x1  }
0x99: {  	s19 =	simm.s32 $_scs_section_size  }
0x9a: {  	s4 =	simm.s32 $_size__tile_overlayer_lowered;
	s5 =	simm.s32 $_tile_overlayer_lowered  }
0x9b: {  	s22 =	simm.s32 $0x1BFF;
	s21 =	sshll.u32 s5, $0x1;
	s2 =	sadd.s32 s19, s18  }
0x9c: {  	s6 =	simm.s32 $0x0;
	s20 =	sshll.u32 s4, $0x1;
	s4 =	sadd.s32 s21, s2  }
0x9d: {  	[timem:s6], [sflag:s22] =	dma.local [hbm:s4], s20  }
0x9e: {  	_ =	swait.ge [sflag:s22], s20  }
0x9f: {  	s3 =	ssub.s32 $0x0, s20;
	[sflag:s22] =	ssyncset.done $0x0  }
0xa0: {  	[sflag:s22] =	ssyncadd.s32 s3;
	_ =	sdelay $0x1  }
0xa1: {  	s23 =	simm.s32 $0x1B8B  }
0xa2: {  	_ =	swait.ge [sflag:s23], $0x1  }
0xa3: {  	[sflag:s23] =	ssyncset.done $0x0  }
0xa4: {  	s25 =	simm.s32 $0x1B8E;
	s24 =	sld [smem:$0x3FFE];
	[sflag:s23] =	ssyncadd.s32 $0xFFFFFFFF  }
0xa5: {  	s26 =	simm.s32 $execute0_lowered;
	[smem:$0x3FD2] =	sst s25  }
0xa6: {  	s4 =	sshll.u32 s26, $0x1;
	_ =	strace $0x80000046;
	[dreg:$0x1] =	wrdreg $0xFFFFFFFF  }
0xa7: {  	s28 =	simm.s32 $_size_execute0_lowered;
	s2 =	sadd.s32 s2, s4;
	[dreg:$0x0] =	wrdreg $0x0  }
0xa8: {  	s4 =	sshll.u32 s28, $0x1;
	[dreg:$0x2] =	wrdreg s2  }
0xa9: {  	[dreg:$0x3] =	wrdreg s4  }
0xaa: {  	[dreg:$0x4] =	wrdreg $0xC0  }
0xab: {  	_ =	task [dreg:s6], $0x5FFFF  }
0xac: {  	[dreg:$0x1] =	wrdreg $0xFFFFFFFF  }
0xad: {  	[dreg:$0x0] =	wrdreg $0x60  }
0xae: {  	[dreg:$0x2] =	wrdreg s24  }
0xaf: {  	[dreg:$0x3] =	wrdreg $0x9  }
0xb0: {  	_ =	task.clear_ibuf [dreg:s6], $0x4FFFF;
	_ =	strace $0x90000046  }
0xb1: {  	s29 =	simm.s32 $0x9;
	_ =	strace $0x80000048  }
0xb2: {  	_ =	swait.ge [sflag:s29], $0x1  }
0xb3: {  	[sflag:s29] =	ssyncadd.s32 $0xFFFFFFFF  }
0xb4: {  	_ =	strace $0x90000048  }
0xb5: {  	_ =	sfence  }
0xb6: {  	s30 =	sld [smem:$0x0];
	_ =	sdelay $0x2  }
0xb7: {  	s31 =	sshll.u32 s1, $0xD;
	s1 =	sshrl.u32 s1, $0x2  }
0xb8: {  	s3 =	sand.u32 $0x4000, s31;
	s1 =	sadd.s32 s1, s30  }
0xb9: {  	s0 =	sor.u32 s3, s0;
	s1 =	sshll.u32 s1, $0x11  }
0xba: {  	s0 =	sor.u32 s1, s0  }
0xbb: {  	s0 =	sadd.s32 $0x8F2B, s0  }
0xbc: {  	[sflag:s0] =	ssyncadd.remote.s32 $0x1  }
0xbd: {  	_ =	sfence.sel $0xFFFF  }
0xbe: {  	[dreg:$0x0] =	wrdreg $0xFFFFFFFF;
	(pc) =	sbr.abs _section_cstart, $3  }
0xbf: {  	[dreg:$0x1] =	wrdreg $0xFFFFFFFF  }
0xc0: {  	_ =	task.clear_ibuf [dreg:s6], $0x2FFFF;
	_ =	strace $0x9FFFFFFF  }
0xc1: {  	(tm) =	ssettm $0x7FFFFFFF  }
tec
execute0_lowered:
.L_overlay_start_1:
0x0: {  	(tag) =	ssettag $0x1  }
0x1: {  	s2 =	rddreg [dreg:$0x0]  }
0x2: {  	s0 =	rddreg [dreg:$0x1];
	s3 =	simm.s32 $0x0  }
0x3: {  	s4 =	srdreg.scid;
	s1 =	stileid.u32;
	s9 =	simm.s32 $0x1  }
0x4: {  	s10 =	simm.s32 $0x2;
	s11 =	simm.s32 $0x18000;
	s12 =	simm.s32 $0x3  }
0x5: {  	s13 =	simm.s32 $0x0;
	s4 =	sand.u32 $0x1, s4;
	s5 =	sshll.u32 s1, $0x1  }
.Ltmp0:
0x6: {  	[smem:$0x7FF] =	sst s3;
	s5 =	sor.u32 s4, s5;
	(pc) =	sbr.rel .LBB2_1-.Ltmp0, $4  }
0x7: {  	s4 =	ssub.s32 $0x2, s4;
	s6 =	sshll.u32 s5, $0x4;
	s8 =	smul.u32 $0x61C00, s5  }
0x8: {  	_ =	strace $0x80000047;
	s7 =	sshrl.u32 s4, $0x1;
	s6 =	sadd.s32 s6, s2  }
0x9: {  	s7 =	ssub.s32 s4, s7;
	s4 =	sshll.u32 s5, $0x2;
	s5 =	sadd.s32 s2, s8  }
0xa: {  	s6 =	sadd.s32 $0xC38000, s6;
	s7 =	smax.u32 s7, $0x1;
	s8 =	simm.s32 $0xC000  }
.LBB2_47:
0xb: {  	v2 =	vadd.f32 v2, v4;
	_ =	sdelay $0x1  }
0xc: {  	v1 =	vadd.f32 v1, v2  }
0xd: {  	_ =	swait.ge [sflag:s9], $0xC000  }
0xe: {  	s13 =	sadd.s32 $0x1, s13;
	[sflag:s9] =	ssyncset.done $0x0;
	v0 =	vadd.f32 v0, v1  }
0xf: {  	p0 =	sne.s32 s13, s7;
	[sflag:s9] =	ssyncadd.s32 $0xFFFF4000  }
.Ltmp1:
0x10: {  	[tilespmem:$0x18000] =	vst v0;
	(pc) =	sbr.rel @!p0 .LBB2_48-.Ltmp1, $4  }
0x11: {  	[hbm4b:s6+s3] =	stream.linear.scatter [tilespmem:s11], [sflag:$0x3], $0x80, $0x38;
	[tilespmem:$0x18080] =	vst v63  }
0x12: {  	_ =	swait.ge [sflag:s12], $0x80  }
0x13: {  	[sflag:s12] =	ssyncset.done $0x0  }
0x14: {  	[sflag:s12] =	ssyncadd.s32 $0xFFFFFF80  }
.LBB2_1:
0x15: {  	[tilespmem:s3], [sflag:$0x1] =	stream.linear.gather [hbm4b:s5+s3], $0xC000, $0x38;
	v0 =	vimm.f32 $0.0e+00;
	[tilespmem:$0x18080] =	vst v63  }
0x16: {  	v1 =	vimm.f32 $0.0e+00;
	v2 =	vimm.f32 $0.0e+00;
	v4 =	vimm.f32 $0.0e+00;
	s14 =	simm.s32 $0x0  }
.LBB2_2:
0x17: {  	s16 =	sshrl.u32 s14, $0x2  }
0x18: {  	s15 =	sshll.u32 s14, $0x1;
	s16 =	sadd.s32 s4, s16  }
0x19: {  	s17 =	sand.u32 $0x6, s15;
	s16 =	smul.u32 $0xC3800, s16  }
0x1a: {  	s17 =	smul.u32 $0xC000, s17;
	_ =	sdelay $0x1  }
0x1b: {  	s16 =	sadd.s32 s16, s17  }
0x1c: {  	s16 =	sshrl.u32 s16, $0x3  }
0x1d: {  	s16 =	sadd.s32 s2, s16  }
0x1e: {  	s31 =	sadd.s32 $0x1800, s16;
	s16 =	simm.s32 $0x0  }
0x1f: {  	[tilespmem:s8], [sflag:$0x2] =	stream.linear.gather [hbm4b:s31+s16], $0xC000, $0x38;
	[tilespmem:$0x18080] =	vst v63  }
0x20: {  	_ =	swait.ge [sflag:s9], $0xC000  }
0x21: {  	s17 =	sand.u32 $0x40, s16;
	s18 =	sand.u32 $0xFC00, s16;
	[sflag:s9] =	ssyncset.done $0x0  }
0x22: {  	s21 =	sor.u32 s17, s18;
	[sflag:s9] =	ssyncadd.s32 $0xFFFF4000  }
0x23: {  	v3 =	vld [tilespmem:s21+$0x30]  }
0x24: {  	v6 =	vld [tilespmem:s21+$0x0]  }
0x25: {  	s19 =	simm.s32 $0x40;
	s20 =	simm.s32 $0x0;
	v7 =	vld [tilespmem:s21+$0x10]  }
.LBB2_3:
0x26: {  	s22 =	sand.u32 $0x40, s19;
	v5 =	vld [tilespmem:s21+$0x20];
	s20 =	sadd.s32 $0x200, s20;
	p0 =	sne.s32 s19, $0x17C0  }
.Ltmp2:
0x27: {  	s19 =	sadd.s32 $0x40, s19;
	s21 =	sand.u32 $0xFC00, s20;
	(pc) =	sbr.rel @p0 .LBB2_3-.Ltmp2, $4  }
0x28: {  	s21 =	sor.u32 s22, s21;
	v0 =	vadd.f32 v3, v0  }
0x29: {  	v3 =	vld [tilespmem:s21+$0x30];
	v4 =	vadd.f32 v6, v4  }
0x2a: {  	v6 =	vld [tilespmem:s21+$0x0];
	v2 =	vadd.f32 v7, v2  }
0x2b: {  	v7 =	vld [tilespmem:s21+$0x10];
	v1 =	vadd.f32 v5, v1  }
0x2c: {  	v8 =	vld [tilespmem:s21+$0x20];
	_ =	sdelay $0x1  }
0x2d: {  	s17 =	sor.u32 s17, s18  }
0x2e: {  	v5 =	vld [tilespmem:s17+$0xB0]  }
0x2f: {  	v0 =	vadd.f32 v3, v0;
	v3 =	vadd.f32 v6, v4;
	v4 =	vld [tilespmem:s17+$0x80]  }
0x30: {  	s18 =	simm.s32 $0x40;
	v6 =	vld [tilespmem:s17+$0x90];
	v2 =	vadd.f32 v7, v2;
	v1 =	vadd.f32 v8, v1  }
.LBB2_5:
0x31: {  	s19 =	sand.u32 $0x40, s18;
	v7 =	vld [tilespmem:s17+$0xA0];
	s16 =	sadd.s32 $0x200, s16;
	p0 =	sne.s32 s18, $0x17C0  }
.Ltmp3:
0x32: {  	s18 =	sadd.s32 $0x40, s18;
	s17 =	sand.u32 $0xFC00, s16;
	(pc) =	sbr.rel @p0 .LBB2_5-.Ltmp3, $4  }
0x33: {  	s17 =	sor.u32 s19, s17;
	v0 =	vadd.f32 v5, v0  }
0x34: {  	v5 =	vld [tilespmem:s17+$0xB0];
	v3 =	vadd.f32 v4, v3  }
0x35: {  	v4 =	vld [tilespmem:s17+$0x80];
	v2 =	vadd.f32 v6, v2  }
0x36: {  	v6 =	vld [tilespmem:s17+$0x90];
	v1 =	vadd.f32 v7, v1  }
0x37: {  	v9 =	vld [tilespmem:s17+$0xA0];
	s16 =	simm.s32 $0x0  }
0x38: {  	s17 =	sand.u32 $0x40, s16;
	s18 =	sand.u32 $0xFC00, s16  }
0x39: {  	s19 =	sor.u32 s17, s18  }
0x3a: {  	v7 =	vld [tilespmem:s19+$0x130]  }
0x3b: {  	v0 =	vadd.f32 v5, v0;
	v4 =	vadd.f32 v4, v3;
	v8 =	vld [tilespmem:s19+$0x100]  }
0x3c: {  	s20 =	simm.s32 $0x40;
	s21 =	simm.s32 $0x0;
	v2 =	vadd.f32 v6, v2;
	v6 =	vadd.f32 v9, v1;
	v9 =	vld [tilespmem:s19+$0x110]  }
.LBB2_7:
0x3d: {  	s22 =	sand.u32 $0x40, s20;
	v1 =	vld [tilespmem:s19+$0x120];
	s21 =	sadd.s32 $0x200, s21;
	p0 =	sne.s32 s20, $0x17C0  }
.Ltmp4:
0x3e: {  	s20 =	sadd.s32 $0x40, s20;
	s19 =	sand.u32 $0xFC00, s21;
	(pc) =	sbr.rel @p0 .LBB2_7-.Ltmp4, $4  }
0x3f: {  	s19 =	sor.u32 s22, s19;
	v0 =	vadd.f32 v7, v0  }
0x40: {  	v7 =	vld [tilespmem:s19+$0x130];
	v4 =	vadd.f32 v8, v4  }
0x41: {  	v8 =	vld [tilespmem:s19+$0x100];
	v2 =	vadd.f32 v9, v2  }
0x42: {  	v9 =	vld [tilespmem:s19+$0x110];
	v6 =	vadd.f32 v1, v6  }
0x43: {  	v10 =	vld [tilespmem:s19+$0x120];
	_ =	sdelay $0x1  }
0x44: {  	s17 =	sor.u32 s17, s18  }
0x45: {  	v5 =	vld [tilespmem:s17+$0x1B0]  }
0x46: {  	v3 =	vadd.f32 v7, v0;
	v1 =	vadd.f32 v8, v4;
	v4 =	vld [tilespmem:s17+$0x180]  }
0x47: {  	s18 =	simm.s32 $0x40;
	v2 =	vadd.f32 v9, v2;
	v0 =	vadd.f32 v10, v6;
	v6 =	vld [tilespmem:s17+$0x190]  }
.LBB2_9:
0x48: {  	s19 =	sand.u32 $0x40, s18;
	v7 =	vld [tilespmem:s17+$0x1A0];
	s16 =	sadd.s32 $0x200, s16;
	p1 =	sne.s32 s18, $0x17C0  }
.Ltmp5:
0x49: {  	s18 =	sadd.s32 $0x40, s18;
	s17 =	sand.u32 $0xFC00, s16;
	(pc) =	sbr.rel @p1 .LBB2_9-.Ltmp5, $4  }
0x4a: {  	p0 =	por $0x0, $0x0;
	s17 =	sor.u32 s19, s17;
	v3 =	vadd.f32 v5, v3  }
0x4b: {  	v5 =	vld [tilespmem:s17+$0x1B0];
	v1 =	vadd.f32 v4, v1  }
0x4c: {  	v4 =	vld [tilespmem:s17+$0x180];
	v2 =	vadd.f32 v6, v2  }
0x4d: {  	v6 =	vld [tilespmem:s17+$0x190];
	v0 =	vadd.f32 v7, v0  }
0x4e: {  	s16 =	simm.s32 $0x1  }
0x4f: {  	s16 =	simm.s32 @!p0 $0x0  }
0x50: {  	s16 =	sshll.u32 s16, $0x6  }
0x51: {  	s16 =	sadd.s32 $0x0, s16  }
0x52: {  	v7 =	vld [tilespmem:s17+$0x1A0];
	s29 =	sor.u32 $0x230, s16  }
0x53: {  	s18 =	sor.u32 $0x200, s16;
	v8 =	vld [tilespmem:s29+$0x0]  }
0x54: {  	p0 =	por !p0, !p0;
	s30 =	sor.u32 $0x210, s16;
	v9 =	vld [tilespmem:s18+$0x0];
	s18 =	simm.s32 $0x1  }
0x55: {  	v10 =	vld [tilespmem:s30+$0x0];
	s18 =	simm.s32 @!p0 $0x0  }
0x56: {  	s31 =	sor.u32 $0x220, s16;
	s17 =	sshll.u32 s18, $0x6  }
0x57: {  	v3 =	vadd.f32 v5, v3;
	v4 =	vadd.f32 v4, v1;
	v1 =	vld [tilespmem:s31+$0x0];
	s21 =	sadd.s32 $0x200, s17  }
0x58: {  	v11 =	vadd.f32 v6, v2;
	s20 =	sor.u32 $0x230, s21  }
0x59: {  	s19 =	simm.s32 $0x200;
	p1 =	por !p0, !p0;
	v0 =	vadd.f32 v7, v0;
	s22 =	sor.u32 $0x200, s21;
	v2 =	vadd.f32 v8, v3;
	v5 =	vld [tilespmem:s20+$0x0]  }
0x5a: {  	s18 =	simm.s32 $0x80;
	s20 =	sor.u32 $0x210, s21;
	s21 =	sor.u32 $0x220, s21;
	v3 =	vadd.f32 v9, v4;
	v6 =	vld [tilespmem:s22+$0x0];
	v4 =	vadd.f32 v10, v11  }
.LBB2_11:
0x5b: {  	s22 =	simm.s32 $0x1  }
0x5c: {  	p2 =	sne.s32 s18, $0x17C0;
	s18 =	sadd.s32 $0x40, s18;
	v7 =	vld [tilespmem:s20+$0x0];
	v0 =	vadd.f32 v1, v0;
	s22 =	simm.s32 @!p1 $0x0  }
.Ltmp6:
0x5d: {  	s19 =	sadd.s32 $0x200, s19;
	s20 =	sshll.u32 s22, $0x6;
	v1 =	vld [tilespmem:s21+$0x0];
	(pc) =	sbr.rel @p2 .LBB2_11-.Ltmp6, $4  }
0x5e: {  	s21 =	sadd.s32 s20, s19  }
0x5f: {  	v2 =	vadd.f32 v5, v2;
	s22 =	sor.u32 $0x200, s21;
	s20 =	sor.u32 $0x210, s21;
	s23 =	sor.u32 $0x230, s21  }
0x60: {  	s21 =	sor.u32 $0x220, s21;
	v3 =	vadd.f32 v6, v3;
	v5 =	vld [tilespmem:s23+$0x0]  }
0x61: {  	p1 =	por !p1, !p1;
	v4 =	vadd.f32 v7, v4;
	v6 =	vld [tilespmem:s22+$0x0]  }
0x62: {  	v7 =	vld [tilespmem:s20+$0x0]  }
0x63: {  	v8 =	vld [tilespmem:s21+$0x0];
	s18 =	sor.u32 $0x2B0, s16  }
0x64: {  	s19 =	sor.u32 $0x280, s16;
	v9 =	vld [tilespmem:s18+$0x0]  }
0x65: {  	s26 =	sor.u32 $0x290, s16;
	v10 =	vld [tilespmem:s19+$0x0]  }
0x66: {  	v11 =	vld [tilespmem:s26+$0x0]  }
0x67: {  	s28 =	sor.u32 $0x2A0, s16  }
0x68: {  	v0 =	vadd.f32 v1, v0;
	s29 =	sadd.s32 $0x200, s17;
	v1 =	vld [tilespmem:s28+$0x0];
	v2 =	vadd.f32 v5, v2  }
0x69: {  	s30 =	sor.u32 $0x2B0, s29;
	v3 =	vadd.f32 v6, v3;
	v7 =	vadd.f32 v7, v4  }
0x6a: {  	s16 =	simm.s32 $0x80;
	s17 =	simm.s32 $0x200;
	s31 =	sor.u32 $0x280, s29;
	v5 =	vld [tilespmem:s30+$0x0];
	v0 =	vadd.f32 v8, v0;
	v2 =	vadd.f32 v9, v2  }
0x6b: {  	p0 =	por !p0, !p0;
	s19 =	sor.u32 $0x290, s29;
	s18 =	sor.u32 $0x2A0, s29;
	v6 =	vld [tilespmem:s31+$0x0];
	v4 =	vadd.f32 v10, v3;
	v3 =	vadd.f32 v11, v7  }
.LBB2_13:
0x6c: {  	s20 =	simm.s32 $0x1  }
0x6d: {  	p1 =	sne.s32 s16, $0x17C0;
	s16 =	sadd.s32 $0x40, s16;
	v7 =	vld [tilespmem:s19+$0x0];
	v0 =	vadd.f32 v1, v0;
	s20 =	simm.s32 @!p0 $0x0  }
.Ltmp7:
0x6e: {  	s17 =	sadd.s32 $0x200, s17;
	s19 =	sshll.u32 s20, $0x6;
	v1 =	vld [tilespmem:s18+$0x0];
	(pc) =	sbr.rel @p1 .LBB2_13-.Ltmp7, $4  }
0x6f: {  	s18 =	sadd.s32 s19, s17  }
0x70: {  	v2 =	vadd.f32 v5, v2;
	s20 =	sor.u32 $0x280, s18;
	s19 =	sor.u32 $0x290, s18;
	s21 =	sor.u32 $0x2B0, s18  }
0x71: {  	s18 =	sor.u32 $0x2A0, s18;
	v4 =	vadd.f32 v6, v4;
	v5 =	vld [tilespmem:s21+$0x0]  }
0x72: {  	p0 =	por !p0, !p0;
	v3 =	vadd.f32 v7, v3;
	v6 =	vld [tilespmem:s20+$0x0]  }
0x73: {  	v7 =	vld [tilespmem:s19+$0x0];
	p0 =	por $0x0, $0x0;
	s16 =	simm.s32 $0x1  }
0x74: {  	v8 =	vld [tilespmem:s18+$0x0];
	p2 =	por $0x1, $0x1;
	s16 =	simm.s32 @!p0 $0x0  }
.Ltmp8:
0x75: {  	s16 =	sshll.u32 s16, $0x6;
	(pc) =	sbr.rel @!p2 .LBB2_15-.Ltmp8, $4  }
0x76: {  	s16 =	sadd.s32 $0x0, s16  }
0x77: {  	v9 =	vadd.f32 v1, v0;
	s17 =	sor.u32 $0x330, s16  }
0x78: {  	v0 =	vadd.f32 v5, v2;
	v1 =	vadd.f32 v6, v4;
	s31 =	sor.u32 $0x300, s16;
	v4 =	vld [tilespmem:s17+$0x0]  }
0x79: {  	p1 =	por !p0, !p0;
	s18 =	sor.u32 $0x310, s16;
	v2 =	vadd.f32 v7, v3;
	v3 =	vadd.f32 v8, v9;
	s17 =	sor.u32 $0x320, s16;
	v5 =	vld [tilespmem:s31+$0x0]  }
0x7a: {  	s19 =	simm.s32 $0x1  }
0x7b: {  	v7 =	vld [tilespmem:s18+$0x0];
	p5 =	por $0x1, $0x1;
	s19 =	simm.s32 @!p1 $0x0  }
.Ltmp9:
0x7c: {  	s30 =	sshll.u32 s19, $0x6;
	(pc) =	sbr.rel @!p5 .LBB2_17-.Ltmp9, $4  }
0x7d: {  	v6 =	vld [tilespmem:s17+$0x0];
	s21 =	sadd.s32 $0x200, s30  }
0x7e: {  	s20 =	simm.s32 $0x200;
	s31 =	sor.u32 $0x330, s21  }
0x7f: {  	p4 =	por !p1, !p1;
	p3 =	por $0x1, $0x1;
	v0 =	vadd.f32 v4, v0;
	s22 =	sor.u32 $0x300, s21;
	v4 =	vld [tilespmem:s31+$0x0]  }
0x80: {  	s19 =	simm.s32 $0x80;
	s18 =	sor.u32 $0x310, s21;
	v1 =	vadd.f32 v5, v1;
	s17 =	sor.u32 $0x320, s21;
	v5 =	vld [tilespmem:s22+$0x0];
	v2 =	vadd.f32 v7, v2;
	v7 =	vmov v3  }
.LBB2_18:
0x81: {  	s21 =	simm.s32 $0x1  }
0x82: {  	p5 =	sne.s32 s19, $0x17C0;
	s19 =	sadd.s32 $0x40, s19;
	v8 =	vld [tilespmem:s18+$0x0];
	v7 =	vadd.f32 v6, v7;
	s21 =	simm.s32 @!p4 $0x0  }
.Ltmp10:
0x83: {  	s20 =	sadd.s32 $0x200, s20;
	s18 =	sshll.u32 s21, $0x6;
	v6 =	vld [tilespmem:s17+$0x0];
	(pc) =	sbr.rel @p5 .LBB2_18-.Ltmp10, $4  }
0x84: {  	s17 =	sadd.s32 s18, s20  }
0x85: {  	v0 =	vadd.f32 v4, v0;
	s21 =	sor.u32 $0x300, s17;
	s18 =	sor.u32 $0x310, s17;
	s22 =	sor.u32 $0x330, s17  }
0x86: {  	s17 =	sor.u32 $0x320, s17;
	v1 =	vadd.f32 v5, v1;
	v4 =	vld [tilespmem:s22+$0x0]  }
0x87: {  	p4 =	por !p4, !p4;
	v2 =	vadd.f32 v8, v2;
	v5 =	vld [tilespmem:s21+$0x0]  }
.LBB2_19:
0x88: {  	v8 =	vld [tilespmem:s18+$0x0]  }
0x89: {  	v9 =	vld [tilespmem:s17+$0x0]  }
.Ltmp11:
0x8a: {  	_ = 	snop;
	(pc) =	sbr.rel @!p2 .LBB2_20-.Ltmp11, $4  }
0x8b: {  	v6 =	vadd.f32 @p3 v6, v7  }
0x8c: {  	s30 =	sor.u32 $0x3B0, s16  }
0x8d: {  	s31 =	sor.u32 $0x380, s16;
	v3 =	vpsel p3, v6, v3;
	v0 =	vadd.f32 v4, v0;
	v4 =	vld [tilespmem:s30+$0x0];
	v1 =	vadd.f32 v5, v1  }
0x8e: {  	s17 =	sor.u32 $0x390, s16;
	s16 =	sor.u32 $0x3A0, s16;
	v5 =	vld [tilespmem:s31+$0x0];
	v2 =	vadd.f32 v8, v2;
	v3 =	vadd.f32 v9, v3  }
0x8f: {  	s18 =	simm.s32 $0x1  }
0x90: {  	v7 =	vld [tilespmem:s17+$0x0];
	p2 =	por $0x1, $0x1;
	s18 =	simm.s32 @!p1 $0x0  }
.Ltmp12:
0x91: {  	s30 =	sshll.u32 s18, $0x6;
	(pc) =	sbr.rel @!p2 .LBB2_22-.Ltmp12, $4  }
0x92: {  	v6 =	vld [tilespmem:s16+$0x0];
	s20 =	sadd.s32 $0x200, s30  }
0x93: {  	s19 =	simm.s32 $0x200;
	s31 =	sor.u32 $0x3B0, s20  }
0x94: {  	p0 =	por $0x1, $0x1;
	p1 =	por !p1, !p1;
	v0 =	vadd.f32 v4, v0;
	s21 =	sor.u32 $0x380, s20;
	v4 =	vld [tilespmem:s31+$0x0]  }
0x95: {  	s18 =	simm.s32 $0x80;
	s17 =	sor.u32 $0x390, s20;
	v1 =	vadd.f32 v5, v1;
	s16 =	sor.u32 $0x3A0, s20;
	v5 =	vld [tilespmem:s21+$0x0];
	v2 =	vadd.f32 v7, v2;
	v7 =	vmov v3  }
.LBB2_23:
0x96: {  	s20 =	simm.s32 $0x1  }
0x97: {  	p2 =	sne.s32 s18, $0x17C0;
	s18 =	sadd.s32 $0x40, s18;
	v8 =	vld [tilespmem:s17+$0x0];
	v7 =	vadd.f32 v6, v7;
	s20 =	simm.s32 @!p1 $0x0  }
.Ltmp13:
0x98: {  	s19 =	sadd.s32 $0x200, s19;
	s17 =	sshll.u32 s20, $0x6;
	v6 =	vld [tilespmem:s16+$0x0];
	(pc) =	sbr.rel @p2 .LBB2_23-.Ltmp13, $4  }
0x99: {  	s16 =	sadd.s32 s17, s19  }
0x9a: {  	v0 =	vadd.f32 v4, v0;
	s20 =	sor.u32 $0x380, s16;
	s17 =	sor.u32 $0x390, s16;
	s21 =	sor.u32 $0x3B0, s16  }
0x9b: {  	s16 =	sor.u32 $0x3A0, s16;
	v1 =	vadd.f32 v5, v1;
	v4 =	vld [tilespmem:s21+$0x0]  }
0x9c: {  	p1 =	por !p1, !p1;
	v2 =	vadd.f32 v8, v2;
	v5 =	vld [tilespmem:s20+$0x0]  }
.LBB2_24:
0x9d: {  	s15 =	smin.u32 s15, $0x1D  }
0x9e: {  	s15 =	sadd.s32 $0x2, s15  }
0x9f: {  	s18 =	sshrl.u32 s15, $0x3;
	s15 =	sand.u32 $0x7, s15  }
0xa0: {  	s18 =	sadd.s32 s4, s18;
	s15 =	smul.u32 $0xC000, s15  }
0xa1: {  	s18 =	smul.u32 $0xC3800, s18;
	_ =	sdelay $0x1  }
0xa2: {  	s15 =	sadd.s32 s15, s18  }
0xa3: {  	s15 =	sshrl.u32 s15, $0x3  }
0xa4: {  	v8 =	vld [tilespmem:s17+$0x0];
	s31 =	sadd.s32 s2, s15;
	s15 =	simm.s32 $0x0  }
0xa5: {  	v9 =	vld [tilespmem:s16+$0x0];
	[tilespmem:s15], [sflag:$0x1] =	stream.linear.gather [hbm4b:s31+s15], $0xC000, $0x38  }
0xa6: {  	_ =	swait.ge [sflag:s10], $0xC000  }
0xa7: {  	s16 =	sand.u32 $0x40, s15;
	s17 =	sand.u32 $0xFC00, s15;
	[sflag:s10] =	ssyncset.done $0x0  }
0xa8: {  	v7 =	vadd.f32 @p0 v6, v7;
	s18 =	sor.u32 s16, s17;
	[sflag:s10] =	ssyncadd.s32 $0xFFFF4000  }
0xa9: {  	v6 =	vld [tilespmem:s18+$0xC030]  }
0xaa: {  	v3 =	vpsel p0, v7, v3;
	v0 =	vadd.f32 v4, v0;
	v1 =	vadd.f32 v5, v1;
	v5 =	vld [tilespmem:s18+$0xC000]  }
0xab: {  	s19 =	simm.s32 $0x40;
	s20 =	simm.s32 $0x0;
	v2 =	vadd.f32 v8, v2;
	v3 =	vadd.f32 v9, v3;
	v7 =	vld [tilespmem:s18+$0xC010]  }
.LBB2_25:
0xac: {  	s21 =	sand.u32 $0x40, s19;
	v4 =	vld [tilespmem:s18+$0xC020];
	s20 =	sadd.s32 $0x200, s20;
	p0 =	sne.s32 s19, $0x17C0  }
.Ltmp14:
0xad: {  	s19 =	sadd.s32 $0x40, s19;
	s18 =	sand.u32 $0xFC00, s20;
	(pc) =	sbr.rel @p0 .LBB2_25-.Ltmp14, $4  }
0xae: {  	s18 =	sor.u32 s21, s18;
	v0 =	vadd.f32 v6, v0  }
0xaf: {  	v6 =	vld [tilespmem:s18+$0xC030];
	v1 =	vadd.f32 v5, v1  }
0xb0: {  	v5 =	vld [tilespmem:s18+$0xC000];
	v2 =	vadd.f32 v7, v2  }
0xb1: {  	v7 =	vld [tilespmem:s18+$0xC010];
	v3 =	vadd.f32 v4, v3  }
0xb2: {  	v8 =	vld [tilespmem:s18+$0xC020];
	_ =	sdelay $0x1  }
0xb3: {  	s16 =	sor.u32 s16, s17  }
0xb4: {  	v4 =	vld [tilespmem:s16+$0xC0B0]  }
0xb5: {  	v0 =	vadd.f32 v6, v0;
	v1 =	vadd.f32 v5, v1;
	v5 =	vld [tilespmem:s16+$0xC080]  }
0xb6: {  	s17 =	simm.s32 $0x40;
	v6 =	vld [tilespmem:s16+$0xC090];
	v2 =	vadd.f32 v7, v2;
	v3 =	vadd.f32 v8, v3  }
.LBB2_27:
0xb7: {  	s18 =	sand.u32 $0x40, s17;
	v7 =	vld [tilespmem:s16+$0xC0A0];
	s15 =	sadd.s32 $0x200, s15;
	p0 =	sne.s32 s17, $0x17C0  }
.Ltmp15:
0xb8: {  	s17 =	sadd.s32 $0x40, s17;
	s16 =	sand.u32 $0xFC00, s15;
	(pc) =	sbr.rel @p0 .LBB2_27-.Ltmp15, $4  }
0xb9: {  	s16 =	sor.u32 s18, s16;
	v0 =	vadd.f32 v4, v0  }
0xba: {  	v4 =	vld [tilespmem:s16+$0xC0B0];
	v1 =	vadd.f32 v5, v1  }
0xbb: {  	v5 =	vld [tilespmem:s16+$0xC080];
	v2 =	vadd.f32 v6, v2  }
0xbc: {  	v6 =	vld [tilespmem:s16+$0xC090];
	v3 =	vadd.f32 v7, v3  }
0xbd: {  	v8 =	vld [tilespmem:s16+$0xC0A0];
	s15 =	simm.s32 $0x0  }
0xbe: {  	s16 =	sand.u32 $0x40, s15;
	s17 =	sand.u32 $0xFC00, s15  }
0xbf: {  	s18 =	sor.u32 s16, s17  }
0xc0: {  	v7 =	vld [tilespmem:s18+$0xC130]  }
0xc1: {  	v0 =	vadd.f32 v4, v0;
	v1 =	vadd.f32 v5, v1;
	v5 =	vld [tilespmem:s18+$0xC100]  }
0xc2: {  	s19 =	simm.s32 $0x40;
	s20 =	simm.s32 $0x0;
	v2 =	vadd.f32 v6, v2;
	v6 =	vadd.f32 v8, v3;
	v8 =	vld [tilespmem:s18+$0xC110]  }
.LBB2_29:
0xc3: {  	s21 =	sand.u32 $0x40, s19;
	v3 =	vld [tilespmem:s18+$0xC120];
	s20 =	sadd.s32 $0x200, s20;
	p0 =	sne.s32 s19, $0x17C0  }
.Ltmp16:
0xc4: {  	s19 =	sadd.s32 $0x40, s19;
	s18 =	sand.u32 $0xFC00, s20;
	(pc) =	sbr.rel @p0 .LBB2_29-.Ltmp16, $4  }
0xc5: {  	s18 =	sor.u32 s21, s18;
	v0 =	vadd.f32 v7, v0  }
0xc6: {  	v7 =	vld [tilespmem:s18+$0xC130];
	v1 =	vadd.f32 v5, v1  }
0xc7: {  	v5 =	vld [tilespmem:s18+$0xC100];
	v2 =	vadd.f32 v8, v2  }
0xc8: {  	v8 =	vld [tilespmem:s18+$0xC110];
	v6 =	vadd.f32 v3, v6  }
0xc9: {  	v9 =	vld [tilespmem:s18+$0xC120];
	_ =	sdelay $0x1  }
0xca: {  	s16 =	sor.u32 s16, s17  }
0xcb: {  	v4 =	vld [tilespmem:s16+$0xC1B0]  }
0xcc: {  	v3 =	vadd.f32 v7, v0;
	v1 =	vadd.f32 v5, v1;
	v5 =	vld [tilespmem:s16+$0xC180]  }
0xcd: {  	s17 =	simm.s32 $0x40;
	v2 =	vadd.f32 v8, v2;
	v0 =	vadd.f32 v9, v6;
	v6 =	vld [tilespmem:s16+$0xC190]  }
.LBB2_31:
0xce: {  	s18 =	sand.u32 $0x40, s17;
	v7 =	vld [tilespmem:s16+$0xC1A0];
	s15 =	sadd.s32 $0x200, s15;
	p0 =	sne.s32 s17, $0x17C0  }
.Ltmp17:
0xcf: {  	s17 =	sadd.s32 $0x40, s17;
	s16 =	sand.u32 $0xFC00, s15;
	(pc) =	sbr.rel @p0 .LBB2_31-.Ltmp17, $4  }
0xd0: {  	s16 =	sor.u32 s18, s16;
	v3 =	vadd.f32 v4, v3  }
0xd1: {  	v4 =	vld [tilespmem:s16+$0xC1B0];
	v1 =	vadd.f32 v5, v1  }
0xd2: {  	v5 =	vld [tilespmem:s16+$0xC180];
	v2 =	vadd.f32 v6, v2  }
0xd3: {  	v6 =	vld [tilespmem:s16+$0xC190];
	v0 =	vadd.f32 v7, v0  }
0xd4: {  	p0 =	por $0x0, $0x0;
	s15 =	simm.s32 $0x1  }
0xd5: {  	s15 =	simm.s32 @!p0 $0x0  }
0xd6: {  	s15 =	sshll.u32 s15, $0x6  }
0xd7: {  	s15 =	sadd.s32 $0x0, s15  }
0xd8: {  	v7 =	vld [tilespmem:s16+$0xC1A0];
	s29 =	sor.u32 $0x230, s15  }
0xd9: {  	s17 =	sor.u32 $0x200, s15;
	v8 =	vld [tilespmem:s29+$0xC000]  }
0xda: {  	p0 =	por !p0, !p0;
	s30 =	sor.u32 $0x210, s15;
	v9 =	vld [tilespmem:s17+$0xC000];
	s17 =	simm.s32 $0x1  }
0xdb: {  	v10 =	vld [tilespmem:s30+$0xC000];
	s17 =	simm.s32 @!p0 $0x0  }
0xdc: {  	s31 =	sor.u32 $0x220, s15;
	s16 =	sshll.u32 s17, $0x6  }
0xdd: {  	v3 =	vadd.f32 v4, v3;
	v4 =	vadd.f32 v5, v1;
	v1 =	vld [tilespmem:s31+$0xC000];
	s20 =	sadd.s32 $0x200, s16  }
0xde: {  	v11 =	vadd.f32 v6, v2;
	s19 =	sor.u32 $0x230, s20  }
0xdf: {  	s18 =	simm.s32 $0x200;
	p1 =	por !p0, !p0;
	v0 =	vadd.f32 v7, v0;
	s21 =	sor.u32 $0x200, s20;
	v2 =	vadd.f32 v8, v3;
	v5 =	vld [tilespmem:s19+$0xC000]  }
0xe0: {  	s17 =	simm.s32 $0x80;
	s19 =	sor.u32 $0x210, s20;
	s20 =	sor.u32 $0x220, s20;
	v3 =	vadd.f32 v9, v4;
	v6 =	vld [tilespmem:s21+$0xC000];
	v4 =	vadd.f32 v10, v11  }
.LBB2_33:
0xe1: {  	s21 =	simm.s32 $0x1  }
0xe2: {  	p2 =	sne.s32 s17, $0x17C0;
	s17 =	sadd.s32 $0x40, s17;
	v7 =	vld [tilespmem:s19+$0xC000];
	v0 =	vadd.f32 v1, v0;
	s21 =	simm.s32 @!p1 $0x0  }
.Ltmp18:
0xe3: {  	s18 =	sadd.s32 $0x200, s18;
	s19 =	sshll.u32 s21, $0x6;
	v1 =	vld [tilespmem:s20+$0xC000];
	(pc) =	sbr.rel @p2 .LBB2_33-.Ltmp18, $4  }
0xe4: {  	s20 =	sadd.s32 s19, s18  }
0xe5: {  	v2 =	vadd.f32 v5, v2;
	s21 =	sor.u32 $0x200, s20;
	s19 =	sor.u32 $0x210, s20;
	s22 =	sor.u32 $0x230, s20  }
0xe6: {  	s20 =	sor.u32 $0x220, s20;
	v3 =	vadd.f32 v6, v3;
	v5 =	vld [tilespmem:s22+$0xC000]  }
0xe7: {  	p1 =	por !p1, !p1;
	v4 =	vadd.f32 v7, v4;
	v6 =	vld [tilespmem:s21+$0xC000]  }
0xe8: {  	v7 =	vld [tilespmem:s19+$0xC000]  }
0xe9: {  	v8 =	vld [tilespmem:s20+$0xC000];
	s17 =	sor.u32 $0x2B0, s15  }
0xea: {  	s18 =	sor.u32 $0x280, s15;
	v9 =	vld [tilespmem:s17+$0xC000]  }
0xeb: {  	s26 =	sor.u32 $0x290, s15;
	v10 =	vld [tilespmem:s18+$0xC000]  }
0xec: {  	v11 =	vld [tilespmem:s26+$0xC000]  }
0xed: {  	s28 =	sor.u32 $0x2A0, s15  }
0xee: {  	v0 =	vadd.f32 v1, v0;
	s29 =	sadd.s32 $0x200, s16;
	v1 =	vld [tilespmem:s28+$0xC000];
	v2 =	vadd.f32 v5, v2  }
0xef: {  	s30 =	sor.u32 $0x2B0, s29;
	v3 =	vadd.f32 v6, v3;
	v7 =	vadd.f32 v7, v4  }
0xf0: {  	s15 =	simm.s32 $0x80;
	s16 =	simm.s32 $0x200;
	s31 =	sor.u32 $0x280, s29;
	v5 =	vld [tilespmem:s30+$0xC000];
	v0 =	vadd.f32 v8, v0;
	v2 =	vadd.f32 v9, v2  }
0xf1: {  	p0 =	por !p0, !p0;
	s18 =	sor.u32 $0x290, s29;
	s17 =	sor.u32 $0x2A0, s29;
	v6 =	vld [tilespmem:s31+$0xC000];
	v4 =	vadd.f32 v10, v3;
	v3 =	vadd.f32 v11, v7  }
.LBB2_35:
0xf2: {  	s19 =	simm.s32 $0x1  }
0xf3: {  	p1 =	sne.s32 s15, $0x17C0;
	s15 =	sadd.s32 $0x40, s15;
	v7 =	vld [tilespmem:s18+$0xC000];
	v0 =	vadd.f32 v1, v0;
	s19 =	simm.s32 @!p0 $0x0  }
.Ltmp19:
0xf4: {  	s16 =	sadd.s32 $0x200, s16;
	s18 =	sshll.u32 s19, $0x6;
	v1 =	vld [tilespmem:s17+$0xC000];
	(pc) =	sbr.rel @p1 .LBB2_35-.Ltmp19, $4  }
0xf5: {  	s17 =	sadd.s32 s18, s16  }
0xf6: {  	v2 =	vadd.f32 v5, v2;
	s19 =	sor.u32 $0x280, s17;
	s18 =	sor.u32 $0x290, s17;
	s20 =	sor.u32 $0x2B0, s17  }
0xf7: {  	s17 =	sor.u32 $0x2A0, s17;
	v4 =	vadd.f32 v6, v4;
	v5 =	vld [tilespmem:s20+$0xC000]  }
0xf8: {  	p0 =	por !p0, !p0;
	v3 =	vadd.f32 v7, v3;
	v6 =	vld [tilespmem:s19+$0xC000]  }
0xf9: {  	v7 =	vld [tilespmem:s18+$0xC000];
	p0 =	por $0x0, $0x0;
	s15 =	simm.s32 $0x1  }
0xfa: {  	v8 =	vld [tilespmem:s17+$0xC000];
	p2 =	por $0x1, $0x1;
	s15 =	simm.s32 @!p0 $0x0  }
.Ltmp20:
0xfb: {  	s15 =	sshll.u32 s15, $0x6;
	(pc) =	sbr.rel @!p2 .LBB2_37-.Ltmp20, $4  }
0xfc: {  	s15 =	sadd.s32 $0x0, s15  }
0xfd: {  	v9 =	vadd.f32 v1, v0;
	s16 =	sor.u32 $0x330, s15  }
0xfe: {  	v0 =	vadd.f32 v5, v2;
	v1 =	vadd.f32 v6, v4;
	s31 =	sor.u32 $0x300, s15;
	v4 =	vld [tilespmem:s16+$0xC000]  }
0xff: {  	p1 =	por !p0, !p0;
	s17 =	sor.u32 $0x310, s15;
	v2 =	vadd.f32 v7, v3;
	v3 =	vadd.f32 v8, v9;
	s16 =	sor.u32 $0x320, s15;
	v5 =	vld [tilespmem:s31+$0xC000]  }
0x100: {  	s18 =	simm.s32 $0x1  }
0x101: {  	v7 =	vld [tilespmem:s17+$0xC000];
	p5 =	por $0x1, $0x1;
	s18 =	simm.s32 @!p1 $0x0  }
.Ltmp21:
0x102: {  	s30 =	sshll.u32 s18, $0x6;
	(pc) =	sbr.rel @!p5 .LBB2_39-.Ltmp21, $4  }
0x103: {  	v6 =	vld [tilespmem:s16+$0xC000];
	s20 =	sadd.s32 $0x200, s30  }
0x104: {  	s19 =	simm.s32 $0x200;
	s31 =	sor.u32 $0x330, s20  }
0x105: {  	p4 =	por !p1, !p1;
	p3 =	por $0x1, $0x1;
	v0 =	vadd.f32 v4, v0;
	s21 =	sor.u32 $0x300, s20;
	v4 =	vld [tilespmem:s31+$0xC000]  }
0x106: {  	s18 =	simm.s32 $0x80;
	s17 =	sor.u32 $0x310, s20;
	v1 =	vadd.f32 v5, v1;
	s16 =	sor.u32 $0x320, s20;
	v5 =	vld [tilespmem:s21+$0xC000];
	v2 =	vadd.f32 v7, v2;
	v7 =	vmov v3  }
.LBB2_40:
0x107: {  	s20 =	simm.s32 $0x1  }
0x108: {  	p5 =	sne.s32 s18, $0x17C0;
	s18 =	sadd.s32 $0x40, s18;
	v8 =	vld [tilespmem:s17+$0xC000];
	v7 =	vadd.f32 v6, v7;
	s20 =	simm.s32 @!p4 $0x0  }
.Ltmp22:
0x109: {  	s19 =	sadd.s32 $0x200, s19;
	s17 =	sshll.u32 s20, $0x6;
	v6 =	vld [tilespmem:s16+$0xC000];
	(pc) =	sbr.rel @p5 .LBB2_40-.Ltmp22, $4  }
0x10a: {  	s16 =	sadd.s32 s17, s19  }
0x10b: {  	v0 =	vadd.f32 v4, v0;
	s20 =	sor.u32 $0x300, s16;
	s17 =	sor.u32 $0x310, s16;
	s21 =	sor.u32 $0x330, s16  }
0x10c: {  	s16 =	sor.u32 $0x320, s16;
	v1 =	vadd.f32 v5, v1;
	v4 =	vld [tilespmem:s21+$0xC000]  }
0x10d: {  	p4 =	por !p4, !p4;
	v2 =	vadd.f32 v8, v2;
	v5 =	vld [tilespmem:s20+$0xC000]  }
.LBB2_41:
0x10e: {  	v8 =	vld [tilespmem:s17+$0xC000]  }
0x10f: {  	v9 =	vld [tilespmem:s16+$0xC000]  }
.Ltmp23:
0x110: {  	_ = 	snop;
	(pc) =	sbr.rel @!p2 .LBB2_42-.Ltmp23, $4  }
0x111: {  	v6 =	vadd.f32 @p3 v6, v7  }
0x112: {  	s30 =	sor.u32 $0x3B0, s15  }
0x113: {  	s31 =	sor.u32 $0x380, s15;
	v3 =	vpsel p3, v6, v3;
	v0 =	vadd.f32 v4, v0;
	v4 =	vld [tilespmem:s30+$0xC000];
	v1 =	vadd.f32 v5, v1  }
0x114: {  	s16 =	sor.u32 $0x390, s15;
	s15 =	sor.u32 $0x3A0, s15;
	v5 =	vld [tilespmem:s31+$0xC000];
	v2 =	vadd.f32 v8, v2;
	v3 =	vadd.f32 v9, v3  }
0x115: {  	s17 =	simm.s32 $0x1  }
0x116: {  	v7 =	vld [tilespmem:s16+$0xC000];
	p2 =	por $0x1, $0x1;
	s17 =	simm.s32 @!p1 $0x0  }
.Ltmp24:
0x117: {  	s30 =	sshll.u32 s17, $0x6;
	(pc) =	sbr.rel @!p2 .LBB2_44-.Ltmp24, $4  }
0x118: {  	v6 =	vld [tilespmem:s15+$0xC000];
	s19 =	sadd.s32 $0x200, s30  }
0x119: {  	s18 =	simm.s32 $0x200;
	s31 =	sor.u32 $0x3B0, s19  }
0x11a: {  	p0 =	por $0x1, $0x1;
	p1 =	por !p1, !p1;
	v0 =	vadd.f32 v4, v0;
	s20 =	sor.u32 $0x380, s19;
	v4 =	vld [tilespmem:s31+$0xC000]  }
0x11b: {  	s17 =	simm.s32 $0x80;
	s16 =	sor.u32 $0x390, s19;
	v1 =	vadd.f32 v5, v1;
	s15 =	sor.u32 $0x3A0, s19;
	v5 =	vld [tilespmem:s20+$0xC000];
	v2 =	vadd.f32 v7, v2;
	v7 =	vmov v3  }
.LBB2_45:
0x11c: {  	s19 =	simm.s32 $0x1  }
0x11d: {  	p2 =	sne.s32 s17, $0x17C0;
	s17 =	sadd.s32 $0x40, s17;
	v8 =	vld [tilespmem:s16+$0xC000];
	v7 =	vadd.f32 v6, v7;
	s19 =	simm.s32 @!p1 $0x0  }
.Ltmp25:
0x11e: {  	s18 =	sadd.s32 $0x200, s18;
	s16 =	sshll.u32 s19, $0x6;
	v6 =	vld [tilespmem:s15+$0xC000];
	(pc) =	sbr.rel @p2 .LBB2_45-.Ltmp25, $4  }
0x11f: {  	s15 =	sadd.s32 s16, s18  }
0x120: {  	v0 =	vadd.f32 v4, v0;
	s19 =	sor.u32 $0x380, s15;
	s16 =	sor.u32 $0x390, s15;
	s20 =	sor.u32 $0x3B0, s15  }
0x121: {  	s15 =	sor.u32 $0x3A0, s15;
	v1 =	vadd.f32 v5, v1;
	v4 =	vld [tilespmem:s20+$0xC000]  }
0x122: {  	p1 =	por !p1, !p1;
	v2 =	vadd.f32 v8, v2;
	v5 =	vld [tilespmem:s19+$0xC000]  }
.LBB2_46:
0x123: {  	_ =	sdelay $0x1  }
0x124: {  	v6 =	vadd.f32 @p0 v6, v7  }
0x125: {  	v8 =	vld [tilespmem:s16+$0xC000];
	s14 =	sadd.s32 $0x1, s14  }
0x126: {  	v9 =	vld [tilespmem:s15+$0xC000];
	v0 =	vadd.f32 v4, v0;
	v4 =	vadd.f32 v5, v1;
	v1 =	vpsel p0, v6, v3;
	p0 =	sne.s32 s14, $0x10  }
.Ltmp26:
0x127: {  	_ = 	snop;
	(pc) =	sbr.rel @p0 .LBB2_2-.Ltmp26, $4  }
.Ltmp27:
0x128: {  	_ = 	snop;
	(pc) =	sbr.rel @!p0 .LBB2_47-.Ltmp27, $4  }
0x129: {  	_ = 	snop  }
0x12a: {  	_ = 	snop  }
0x12b: {  	v2 =	vadd.f32 v8, v2;
	v1 =	vadd.f32 v9, v1  }
0x12c: {  	_ = 	snop  }
.LBB2_15:
.Ltmp28:
0x12d: {  	(pc) =	sbr.rel .LBB2_19-.Ltmp28, $2  }
0x12e: {  	_ =	sdelay $0x2  }
0x12f: {  	p3 =	por $0x0, $0x0;
	v7 =	vmov v3  }
.LBB2_20:
.Ltmp29:
0x130: {  	(pc) =	sbr.rel .LBB2_24-.Ltmp29, $2  }
0x131: {  	_ =	sdelay $0x2  }
0x132: {  	v7 =	vmov v3  }
.LBB2_37:
.Ltmp30:
0x133: {  	(pc) =	sbr.rel .LBB2_41-.Ltmp30, $2  }
0x134: {  	_ =	sdelay $0x2  }
0x135: {  	p3 =	por $0x0, $0x0;
	v7 =	vmov v3  }
.LBB2_42:
.Ltmp31:
0x136: {  	(pc) =	sbr.rel .LBB2_46-.Ltmp31, $2  }
0x137: {  	_ =	sdelay $0x2  }
0x138: {  	v7 =	vmov v3  }
.LBB2_17:
.Ltmp32:
0x139: {  	(pc) =	sbr.rel .LBB2_19-.Ltmp32, $2  }
0x13a: {  	_ =	sdelay $0x2  }
0x13b: {  	v7 =	vmov v3  }
.LBB2_22:
.Ltmp33:
0x13c: {  	(pc) =	sbr.rel .LBB2_24-.Ltmp33, $2  }
0x13d: {  	_ =	sdelay $0x2  }
0x13e: {  	v7 =	vmov v3  }
.LBB2_39:
.Ltmp34:
0x13f: {  	(pc) =	sbr.rel .LBB2_41-.Ltmp34, $2  }
0x140: {  	_ =	sdelay $0x2  }
0x141: {  	v7 =	vmov v3  }
.LBB2_44:
.Ltmp35:
0x142: {  	(pc) =	sbr.rel .LBB2_46-.Ltmp35, $2  }
0x143: {  	_ =	sdelay $0x2  }
0x144: {  	v7 =	vmov v3  }
.LBB2_48:
0x145: {  	_ =	sfence.sel $0x180000  }
0x146: {  	[bflag:$0x0] =	sbarrier.arrive $0xFFFF  }
0x147: {  	p0 =	sne.s32 s1, $0x0;
	_ =	strace $0x90000047  }
0x148: {  	s0 =	sadd.s32 @!p0 $0x100000, s0;
	[bflag:$0x2] =	sbarrier.arrive $0xFFFF  }
0x149: {  	[sflag:s0] =	ssyncadd.tile.s32 @!p0 $0x1;
	_ =	shalt  }
.Lfunc_end2:
_tile_overlayer_lowered:
.L_overlay_start_2:
0x14a: {  	(tag) =	ssettag $0x2  }
0x14b: {  	s0 =	rddreg [dreg:$0x0];
	s2 =	stileid.u32  }
0x14c: {  	s1 =	rddreg [dreg:$0x1];
	p0 =	sne.s32 s2, $0x0  }
0x14d: {  	s3 =	rddreg [dreg:$0x2];
	[bflag:$0x3] =	sbarrier.arrive $0xFFFF;
	s2 =	simm.s32 @!p0 $0x1C03  }
0x14e: {  	[timem:s3], [sflag:s2] =	dma.local @!p0 [hbm:s0], s1  }
0x14f: {  	s0 =	simm.s32 @!p0 $0x3  }
0x150: {  	_ =	swait.ge @!p0 [sflag:s0], s1  }
0x151: {  	s1 =	ssub.s32 @!p0 $0x0, s1;
	[sflag:s0] =	ssyncset.done @!p0 $0x0  }
0x152: {  	[sflag:s0] =	ssyncadd.s32 @!p0 s1  }
0x153: {  	[bflag:$0x3] =	sbarrier.arrive $0xFFFF  }
0x154: {  	_ =	shalt  }

</sc_bundles>
